<compile_context>
chip_gen: v7x
topology: tpu7x:2x2x1
jax: 0.10.2.dev20260603
libtpu: 0.0.44.dev20260713+nightly
codegen_flags: <defaults>
</compile_context>

<pallas_src>
import functools

import jax
import jax.numpy as jnp
from jax import lax
from jax.experimental import pallas as pl
from jax.experimental.pallas import tpu as pltpu
from jax.experimental.pallas import tpu_sc as plsc

B, U, T = 4096, 2048, 1024
NC, NS, L = 2, 16, 16
NW = NC * NS
RPW = B // NW
NBIN = T + L


def kernel(x, w, b):
    w_flat = w.reshape(-1)
    mesh = plsc.VectorSubcoreMesh(core_axis_name="c", subcore_axis_name="s")

    @functools.partial(
        pl.kernel,
        mesh=mesh,
        out_type=jax.ShapeDtypeStruct((B, T), jnp.float32),
        compiler_params=pltpu.CompilerParams(
            needs_layout_passes=False, use_tc_tiling_on_sc=False),
        scratch_types=[
            pltpu.VMEM((U,), jnp.int32),
            pltpu.VMEM((U,), jnp.int32),
            pltpu.VMEM((U,), jnp.int32),
            pltpu.VMEM((U,), jnp.int32),
            pltpu.VMEM((U,), jnp.float32),
            pltpu.VMEM((U,), jnp.float32),
            pltpu.VMEM((NBIN,), jnp.float32),
            pltpu.VMEM((NBIN,), jnp.float32),
            pltpu.VMEM((T,), jnp.float32),
            pltpu.SemaphoreType.DMA,
            pltpu.SemaphoreType.DMA,
            pltpu.SemaphoreType.DMA,
            pltpu.SemaphoreType.DMA,
            pltpu.SemaphoreType.DMA,
            pltpu.SemaphoreType.DMA,
        ],
    )
    def sck(x_hbm, w_hbm, b_hbm, out_hbm,
            xrow0, xrow1, gidx0, gidx1, gval0, gval1, acc0, acc1, bias,
            sx0, sx1, sg0, sg1, so0, so1):
        xrow = (xrow0, xrow1)
        gidx = (gidx0, gidx1)
        gval = (gval0, gval1)
        acc = (acc0, acc1)
        sx = (sx0, sx1)
        sg = (sg0, sg1)
        so = (so0, so1)
        wid = lax.axis_index("s") * NC + lax.axis_index("c")
        row0 = wid * RPW
        last_row = row0 + RPW - 1
        pltpu.sync_copy(b_hbm, bias)
        col = lax.iota(jnp.int32, L)

        def compute_idx(xr, gi):
            @plsc.parallel_loop(0, U // L, unroll=8)
            def _(i):
                xv = xr[pl.ds(i * L, L)]
                flat = xv * U + (col + (i * L - U))
                gi[pl.ds(i * L, L)] = jnp.maximum(flat, 0)

        def init_acc(a):
            @plsc.parallel_loop(0, T // L, unroll=8)
            def _(j):
                a[pl.ds(j * L + L, L)] = bias[pl.ds(j * L, L)]

        def scatter_row(xr, gv, a):
            def si(i, c):
                xv = xr[pl.ds(i * L, L)]
                vv = gv[pl.ds(i * L, L)]
                plsc.addupdate_scatter(a, [xv + (L - 1)], vv)
                return c
            lax.fori_loop(0, U // L, si, 0, unroll=8)

        def handle(i, p, first_pair):
            q = 1 - p
            row = row0 + i
            pltpu.make_async_copy(x_hbm.at[row], xrow[p], sx[p]).wait()
            compute_idx(xrow[p], gidx[p])
            pltpu.async_copy(w_hbm.at[gidx[p]], gval[p], sg[p])
            if not first_pair:
                pltpu.make_async_copy(
                    acc[p].at[pl.ds(L, T)], out_hbm.at[row], so[p]).wait()
            init_acc(acc[p])
            pltpu.make_async_copy(w_hbm.at[gidx[q]], gval[q], sg[q]).wait()
            scatter_row(xrow[q], gval[q], acc[q])
            pltpu.async_copy(
                acc[q].at[pl.ds(L, T)], out_hbm.at[row - 1], so[q])
            nxt = jnp.minimum(row + 1, last_row)
            pltpu.async_copy(x_hbm.at[nxt], xrow[q], sx[q])

        pltpu.sync_copy(x_hbm.at[row0], xrow0)
        compute_idx(xrow0, gidx0)
        pltpu.async_copy(w_hbm.at[gidx0], gval0, sg0)
        pltpu.async_copy(x_hbm.at[row0 + 1], xrow1, sx1)
        init_acc(acc0)
        handle(1, 1, True)

        def pair_body(j, c):
            handle(2 * j, 0, False)
            handle(2 * j + 1, 1, False)
            return c
        lax.fori_loop(1, RPW // 2, pair_body, 0)

        pltpu.make_async_copy(w_hbm.at[gidx1], gval1, sg1).wait()
        scatter_row(xrow1, gval1, acc1)
        pltpu.sync_copy(acc1.at[pl.ds(L, T)], out_hbm.at[last_row])
        pltpu.make_async_copy(
            acc0.at[pl.ds(L, T)], out_hbm.at[last_row], so0).wait()
        pltpu.make_async_copy(x_hbm.at[last_row], xrow0, sx0).wait()

    return sck(x, w_flat, b)

# --- scband reference (transcript-rebuilt; emitter-appended) ---
"""Pipeline reference for scband-input-layer-68899865362681 (READ-ONLY COPY).

The authoritative reference and input builder live on the scoring server;
editing this copy changes nothing except your own understanding.
"""

import jax, jax.numpy as jnp
import numpy as np

BATCH = 4096
USER_NUM = 2048
TASK_NUM = 1024

def setup_inputs(seed: int = 0) -> dict:
    key = jax.random.key(seed)
    k1, k2, k3 = jax.random.split(key, 3)
    # x values in [0, TASK_NUM]; 0 means 'no task requested' (index = x-1 < 0 is skipped)
    x = jax.random.randint(k1, (BATCH, USER_NUM), 0, TASK_NUM + 1, dtype=jnp.int32)
    # learned parameters per init_kwargs: w[task_num, user_num], b[task_num]
    w = jax.random.normal(k2, (TASK_NUM, USER_NUM), dtype=jnp.float32)
    b = jax.random.normal(k3, (TASK_NUM,), dtype=jnp.float32)
    return {"x": x, "w": w, "b": b}

def reference(x, w, b):
    # Faithful vectorization of the double python loop:
    # for each (batch, user): idx = x[b,u]-1; if idx>=0: out[b, idx] += w[idx, u]
    # then out[b, :] += b
    B, U = x.shape
    T = w.shape[0]
    idx = x.astype(jnp.int32) - 1                 # [B, U], -1 means skip
    mask = (idx >= 0)
    idx_c = jnp.clip(idx, 0, T - 1)               # safe gather/scatter index
    u_ids = jnp.broadcast_to(jnp.arange(U, dtype=jnp.int32)[None, :], (B, U))
    vals = w[idx_c, u_ids] * mask.astype(w.dtype)  # gather w[idx, u], zero out skipped
    out = jnp.zeros((B, T), dtype=w.dtype)
    out = out.at[jnp.arange(B, dtype=jnp.int32)[:, None], idx_c].add(vals)  # scatter-add
    out = out + b[None, :]
    return out

if __name__ == "__main__":
    import jax
    _d = setup_inputs()
    print(jax.jit(kernel)(*tuple(_d.values())))

</pallas_src>

<mosaic_0001>
#map = affine_map<(d0, d1) -> (0, 0)>
#map1 = affine_map<(d0, d1) -> (0)>
module attributes {stable_mosaic.version = 14 : i64} {
  func.func @sck(%arg0: i32, %arg1: i32, %arg2: memref<4096x2048xi32, #tpu.memory_space<hbm>>, %arg3: memref<2097152xf32, #tpu.memory_space<hbm>>, %arg4: memref<1024xf32, #tpu.memory_space<hbm>>, %arg5: memref<4096x1024xf32, #tpu.memory_space<hbm>>, %arg6: memref<2048xi32, #tpu.memory_space<vmem>>, %arg7: memref<2048xi32, #tpu.memory_space<vmem>>, %arg8: memref<2048xi32, #tpu.memory_space<vmem>>, %arg9: memref<2048xi32, #tpu.memory_space<vmem>>, %arg10: memref<2048xf32, #tpu.memory_space<vmem>>, %arg11: memref<2048xf32, #tpu.memory_space<vmem>>, %arg12: memref<1040xf32, #tpu.memory_space<vmem>>, %arg13: memref<1040xf32, #tpu.memory_space<vmem>>, %arg14: memref<1024xf32, #tpu.memory_space<vmem>>, %arg15: memref<!tpu.dma_semaphore, #tpu.memory_space<semaphore_mem>>, %arg16: memref<!tpu.dma_semaphore, #tpu.memory_space<semaphore_mem>>, %arg17: memref<!tpu.dma_semaphore, #tpu.memory_space<semaphore_mem>>, %arg18: memref<!tpu.dma_semaphore, #tpu.memory_space<semaphore_mem>>, %arg19: memref<!tpu.dma_semaphore, #tpu.memory_space<semaphore_mem>>, %arg20: memref<!tpu.dma_semaphore, #tpu.memory_space<semaphore_mem>>) attributes {dimension_semantics = [#tpu.dimension_semantics<core_parallel>, #tpu.dimension_semantics<subcore_parallel>], iteration_bounds = array<i64: 2, 16>, scalar_prefetch = 0 : i64, scratch_operands = 15 : i64, tpu.core_type = #tpu.core_type<sc_vector_subcore>, window_params = [{transform_indices = #map}, {transform_indices = #map1}, {transform_indices = #map1}, {transform_indices = #map}]} {
    %mul3A = arith.constant 2 : i32
    %mul3A_0 = arith.muli %arg1, %mul3A : i32
    %add3A = arith.addi %mul3A_0, %arg0 : i32
    %mul3A_1 = arith.constant 128 : i32
    %mul3A_2 = arith.muli %add3A, %mul3A_1 : i32
    %add3A_3 = arith.constant 128 : i32
    %add3A_4 = arith.addi %mul3A_2, %add3A_3 : i32
    %sub3A = arith.constant 1 : i32
    %sub3A_5 = arith.subi %add3A_4, %sub3A : i32
    "tpu.region"() ({
      %run_scoped3A = tpu.sem_alloc : memref<!tpu.dma_semaphore, #tpu.memory_space<semaphore_mem>>
      tpu.enqueue_dma source(%arg4 : memref<1024xf32, #tpu.memory_space<hbm>>) target(%arg14 : memref<1024xf32, #tpu.memory_space<vmem>>) target_semaphore(%run_scoped3A : memref<!tpu.dma_semaphore, #tpu.memory_space<semaphore_mem>>)
      tpu.wait_dma2 semaphore(%run_scoped3A : memref<!tpu.dma_semaphore, #tpu.memory_space<semaphore_mem>>) src(%arg4 : memref<1024xf32, #tpu.memory_space<hbm>>) dst(%arg14 : memref<1024xf32, #tpu.memory_space<vmem>>)
      tpu.yield
    }) : () -> ()
    %iota3A = tpu.iota {dimensions = array<i32: 0>} : vector<16xi32>
    "tpu.region"() ({
      %run_scoped3A = tpu.sem_alloc : memref<!tpu.dma_semaphore, #tpu.memory_space<semaphore_mem>>
      %dma_start3A_92 = arith.constant 0 : i32
      %dma_start3A_93 = tpu.memref_slice %arg2[%mul3A_2, %dma_start3A_92] : memref<4096x2048xi32, #tpu.memory_space<hbm>> -> memref<1x2048xi32, #tpu.memory_space<hbm>>
      %dma_start3A_94 = tpu.memref_squeeze %dma_start3A_93 : memref<1x2048xi32, #tpu.memory_space<hbm>> -> memref<2048xi32, #tpu.memory_space<hbm>>
      %dma_start3A_95 = arith.constant 0 : i32
      %dma_start3A_96 = tpu.memref_slice %arg2[%mul3A_2, %dma_start3A_95] : memref<4096x2048xi32, #tpu.memory_space<hbm>> -> memref<1x2048xi32, #tpu.memory_space<hbm>>
      %dma_start3A_97 = tpu.memref_squeeze %dma_start3A_96 : memref<1x2048xi32, #tpu.memory_space<hbm>> -> memref<2048xi32, #tpu.memory_space<hbm>>
      tpu.enqueue_dma source(%dma_start3A_97 : memref<2048xi32, #tpu.memory_space<hbm>>) target(%arg6 : memref<2048xi32, #tpu.memory_space<vmem>>) target_semaphore(%run_scoped3A : memref<!tpu.dma_semaphore, #tpu.memory_space<semaphore_mem>>)
      %dma_wait3A_98 = arith.constant 0 : i32
      %dma_wait3A_99 = tpu.memref_slice %arg2[%mul3A_2, %dma_wait3A_98] : memref<4096x2048xi32, #tpu.memory_space<hbm>> -> memref<1x2048xi32, #tpu.memory_space<hbm>>
      %dma_wait3A_100 = tpu.memref_squeeze %dma_wait3A_99 : memref<1x2048xi32, #tpu.memory_space<hbm>> -> memref<2048xi32, #tpu.memory_space<hbm>>
      %dma_wait3A_101 = arith.constant 0 : i32
      %dma_wait3A_102 = tpu.memref_slice %arg2[%mul3A_2, %dma_wait3A_101] : memref<4096x2048xi32, #tpu.memory_space<hbm>> -> memref<1x2048xi32, #tpu.memory_space<hbm>>
      %dma_wait3A_103 = tpu.memref_squeeze %dma_wait3A_102 : memref<1x2048xi32, #tpu.memory_space<hbm>> -> memref<2048xi32, #tpu.memory_space<hbm>>
      tpu.wait_dma2 semaphore(%run_scoped3A : memref<!tpu.dma_semaphore, #tpu.memory_space<semaphore_mem>>) src(%dma_wait3A_103 : memref<2048xi32, #tpu.memory_space<hbm>>) dst(%arg6 : memref<2048xi32, #tpu.memory_space<vmem>>)
      tpu.yield
    }) : () -> ()
    %parallel_loop3A = arith.constant 0 : i32
    %parallel_loop3A_6 = arith.constant 128 : i32
    %parallel_loop3A_7 = arith.constant 1 : i32
    scf.for %parallel_loop3A_92 = %parallel_loop3A to %parallel_loop3A_6 step %parallel_loop3A_7  : i32 {
      %parallel_loop3A_93 = arith.constant 16 : i32
      %parallel_loop3A_94 = arith.muli %parallel_loop3A_92, %parallel_loop3A_93 : i32
      %parallel_loop3A_95 = arith.index_cast %parallel_loop3A_94 : i32 to index
      %parallel_loop3A_96 = tpu.vector_load %arg6[%parallel_loop3A_95] {strides = array<i32>} : memref<2048xi32, #tpu.memory_space<vmem>>, vector<16xi32>,
      %parallel_loop3A_97 = arith.constant 2048 : i32
      %parallel_loop3A_98 = vector.broadcast %parallel_loop3A_97 : i32 to vector<16xi32>
      %parallel_loop3A_99 = arith.muli %parallel_loop3A_96, %parallel_loop3A_98 : vector<16xi32>
      %parallel_loop3A_100 = arith.constant 16 : i32
      %parallel_loop3A_101 = arith.muli %parallel_loop3A_92, %parallel_loop3A_100 : i32
      %parallel_loop3A_102 = arith.constant 2048 : i32
      %parallel_loop3A_103 = arith.subi %parallel_loop3A_101, %parallel_loop3A_102 : i32
      %parallel_loop3A_104 = vector.broadcast %parallel_loop3A_103 : i32 to vector<16xi32>
      %parallel_loop3A_105 = arith.addi %iota3A, %parallel_loop3A_104 : vector<16xi32>
      %parallel_loop3A_106 = arith.addi %parallel_loop3A_99, %parallel_loop3A_105 : vector<16xi32>
      %parallel_loop3A_107 = arith.constant 0 : i32
      %parallel_loop3A_108 = vector.broadcast %parallel_loop3A_107 : i32 to vector<16xi32>
      %parallel_loop3A_109 = arith.maxsi %parallel_loop3A_106, %parallel_loop3A_108 : vector<16xi32>
      %parallel_loop3A_110 = arith.constant 16 : i32
      %parallel_loop3A_111 = arith.muli %parallel_loop3A_92, %parallel_loop3A_110 : i32
      %parallel_loop3A_112 = arith.index_cast %parallel_loop3A_111 : i32 to index
      %parallel_loop3A_113 = tpu.vector_load %arg8[%parallel_loop3A_112] {strides = array<i32>} : memref<2048xi32, #tpu.memory_space<vmem>>, vector<16xi32>,
      tpu.vector_store %arg8[%parallel_loop3A_112], %parallel_loop3A_109 {strides = array<i32>} : memref<2048xi32, #tpu.memory_space<vmem>>, vector<16xi32>,
    } {sc.loop_unroll_factor = 8 : i64, sc.parallel_access}
    %dma_start3A = arith.constant 0 : i32
    %dma_start3A_8 = tpu.memref_slice %arg3[%dma_start3A] : memref<2097152xf32, #tpu.memory_space<hbm>> -> memref<2097152xf32, #tpu.memory_space<hbm>>
    tpu.enqueue_indirect_dma source(%dma_start3A_8 : memref<2097152xf32, #tpu.memory_space<hbm>>) target(%arg10 : memref<2048xf32, #tpu.memory_space<vmem>>) offsets(%arg8 : memref<2048xi32, #tpu.memory_space<vmem>>) semaphore(%arg17 : memref<!tpu.dma_semaphore, #tpu.memory_space<semaphore_mem>>)
    %add3A_9 = arith.constant 1 : i32
    %add3A_10 = arith.addi %mul3A_2, %add3A_9 : i32
    %dma_start3A_11 = arith.constant 0 : i32
    %dma_start3A_12 = tpu.memref_slice %arg2[%add3A_10, %dma_start3A_11] : memref<4096x2048xi32, #tpu.memory_space<hbm>> -> memref<1x2048xi32, #tpu.memory_space<hbm>>
    %dma_start3A_13 = tpu.memref_squeeze %dma_start3A_12 : memref<1x2048xi32, #tpu.memory_space<hbm>> -> memref<2048xi32, #tpu.memory_space<hbm>>
    %dma_start3A_14 = arith.constant 0 : i32
    %dma_start3A_15 = tpu.memref_slice %arg2[%add3A_10, %dma_start3A_14] : memref<4096x2048xi32, #tpu.memory_space<hbm>> -> memref<1x2048xi32, #tpu.memory_space<hbm>>
    %dma_start3A_16 = tpu.memref_squeeze %dma_start3A_15 : memref<1x2048xi32, #tpu.memory_space<hbm>> -> memref<2048xi32, #tpu.memory_space<hbm>>
    tpu.enqueue_dma source(%dma_start3A_16 : memref<2048xi32, #tpu.memory_space<hbm>>) target(%arg7 : memref<2048xi32, #tpu.memory_space<vmem>>) target_semaphore(%arg16 : memref<!tpu.dma_semaphore, #tpu.memory_space<semaphore_mem>>)
    %parallel_loop3A_17 = arith.constant 0 : i32
    %parallel_loop3A_18 = arith.constant 64 : i32
    %parallel_loop3A_19 = arith.constant 1 : i32
    scf.for %parallel_loop3A_92 = %parallel_loop3A_17 to %parallel_loop3A_18 step %parallel_loop3A_19  : i32 {
      %parallel_loop3A_93 = arith.constant 16 : i32
      %parallel_loop3A_94 = arith.muli %parallel_loop3A_92, %parallel_loop3A_93 : i32
      %parallel_loop3A_95 = arith.index_cast %parallel_loop3A_94 : i32 to index
      %parallel_loop3A_96 = tpu.vector_load %arg14[%parallel_loop3A_95] {strides = array<i32>} : memref<1024xf32, #tpu.memory_space<vmem>>, vector<16xf32>,
      %parallel_loop3A_97 = arith.constant 16 : i32
      %parallel_loop3A_98 = arith.muli %parallel_loop3A_92, %parallel_loop3A_97 : i32
      %parallel_loop3A_99 = arith.constant 16 : i32
      %parallel_loop3A_100 = arith.addi %parallel_loop3A_98, %parallel_loop3A_99 : i32
      %parallel_loop3A_101 = arith.index_cast %parallel_loop3A_100 : i32 to index
      %parallel_loop3A_102 = tpu.vector_load %arg12[%parallel_loop3A_101] {strides = array<i32>} : memref<1040xf32, #tpu.memory_space<vmem>>, vector<16xf32>,
      tpu.vector_store %arg12[%parallel_loop3A_101], %parallel_loop3A_96 {strides = array<i32>} : memref<1040xf32, #tpu.memory_space<vmem>>, vector<16xf32>,
    } {sc.loop_unroll_factor = 8 : i64, sc.parallel_access}
    %add3A_20 = arith.constant 1 : i32
    %add3A_21 = arith.addi %mul3A_2, %add3A_20 : i32
    %dma_wait3A = arith.constant 0 : i32
    %dma_wait3A_22 = tpu.memref_slice %arg2[%add3A_21, %dma_wait3A] : memref<4096x2048xi32, #tpu.memory_space<hbm>> -> memref<1x2048xi32, #tpu.memory_space<hbm>>
    %dma_wait3A_23 = tpu.memref_squeeze %dma_wait3A_22 : memref<1x2048xi32, #tpu.memory_space<hbm>> -> memref<2048xi32, #tpu.memory_space<hbm>>
    %dma_wait3A_24 = arith.constant 0 : i32
    %dma_wait3A_25 = tpu.memref_slice %arg2[%add3A_21, %dma_wait3A_24] : memref<4096x2048xi32, #tpu.memory_space<hbm>> -> memref<1x2048xi32, #tpu.memory_space<hbm>>
    %dma_wait3A_26 = tpu.memref_squeeze %dma_wait3A_25 : memref<1x2048xi32, #tpu.memory_space<hbm>> -> memref<2048xi32, #tpu.memory_space<hbm>>
    tpu.wait_dma2 semaphore(%arg16 : memref<!tpu.dma_semaphore, #tpu.memory_space<semaphore_mem>>) src(%dma_wait3A_26 : memref<2048xi32, #tpu.memory_space<hbm>>) dst(%arg7 : memref<2048xi32, #tpu.memory_space<vmem>>)
    %parallel_loop3A_27 = arith.constant 0 : i32
    %parallel_loop3A_28 = arith.constant 128 : i32
    %parallel_loop3A_29 = arith.constant 1 : i32
    scf.for %parallel_loop3A_92 = %parallel_loop3A_27 to %parallel_loop3A_28 step %parallel_loop3A_29  : i32 {
      %parallel_loop3A_93 = arith.constant 16 : i32
      %parallel_loop3A_94 = arith.muli %parallel_loop3A_92, %parallel_loop3A_93 : i32
      %parallel_loop3A_95 = arith.index_cast %parallel_loop3A_94 : i32 to index
      %parallel_loop3A_96 = tpu.vector_load %arg7[%parallel_loop3A_95] {strides = array<i32>} : memref<2048xi32, #tpu.memory_space<vmem>>, vector<16xi32>,
      %parallel_loop3A_97 = arith.constant 2048 : i32
      %parallel_loop3A_98 = vector.broadcast %parallel_loop3A_97 : i32 to vector<16xi32>
      %parallel_loop3A_99 = arith.muli %parallel_loop3A_96, %parallel_loop3A_98 : vector<16xi32>
      %parallel_loop3A_100 = arith.constant 16 : i32
      %parallel_loop3A_101 = arith.muli %parallel_loop3A_92, %parallel_loop3A_100 : i32
      %parallel_loop3A_102 = arith.constant 2048 : i32
      %parallel_loop3A_103 = arith.subi %parallel_loop3A_101, %parallel_loop3A_102 : i32
      %parallel_loop3A_104 = vector.broadcast %parallel_loop3A_103 : i32 to vector<16xi32>
      %parallel_loop3A_105 = arith.addi %iota3A, %parallel_loop3A_104 : vector<16xi32>
      %parallel_loop3A_106 = arith.addi %parallel_loop3A_99, %parallel_loop3A_105 : vector<16xi32>
      %parallel_loop3A_107 = arith.constant 0 : i32
      %parallel_loop3A_108 = vector.broadcast %parallel_loop3A_107 : i32 to vector<16xi32>
      %parallel_loop3A_109 = arith.maxsi %parallel_loop3A_106, %parallel_loop3A_108 : vector<16xi32>
      %parallel_loop3A_110 = arith.constant 16 : i32
      %parallel_loop3A_111 = arith.muli %parallel_loop3A_92, %parallel_loop3A_110 : i32
      %parallel_loop3A_112 = arith.index_cast %parallel_loop3A_111 : i32 to index
      %parallel_loop3A_113 = tpu.vector_load %arg9[%parallel_loop3A_112] {strides = array<i32>} : memref<2048xi32, #tpu.memory_space<vmem>>, vector<16xi32>,
      tpu.vector_store %arg9[%parallel_loop3A_112], %parallel_loop3A_109 {strides = array<i32>} : memref<2048xi32, #tpu.memory_space<vmem>>, vector<16xi32>,
    } {sc.loop_unroll_factor = 8 : i64, sc.parallel_access}
    %dma_start3A_30 = arith.constant 0 : i32
    %dma_start3A_31 = tpu.memref_slice %arg3[%dma_start3A_30] : memref<2097152xf32, #tpu.memory_space<hbm>> -> memref<2097152xf32, #tpu.memory_space<hbm>>
    tpu.enqueue_indirect_dma source(%dma_start3A_31 : memref<2097152xf32, #tpu.memory_space<hbm>>) target(%arg11 : memref<2048xf32, #tpu.memory_space<vmem>>) offsets(%arg9 : memref<2048xi32, #tpu.memory_space<vmem>>) semaphore(%arg18 : memref<!tpu.dma_semaphore, #tpu.memory_space<semaphore_mem>>)
    %parallel_loop3A_32 = arith.constant 0 : i32
    %parallel_loop3A_33 = arith.constant 64 : i32
    %parallel_loop3A_34 = arith.constant 1 : i32
    scf.for %parallel_loop3A_92 = %parallel_loop3A_32 to %parallel_loop3A_33 step %parallel_loop3A_34  : i32 {
      %parallel_loop3A_93 = arith.constant 16 : i32
      %parallel_loop3A_94 = arith.muli %parallel_loop3A_92, %parallel_loop3A_93 : i32
      %parallel_loop3A_95 = arith.index_cast %parallel_loop3A_94 : i32 to index
      %parallel_loop3A_96 = tpu.vector_load %arg14[%parallel_loop3A_95] {strides = array<i32>} : memref<1024xf32, #tpu.memory_space<vmem>>, vector<16xf32>,
      %parallel_loop3A_97 = arith.constant 16 : i32
      %parallel_loop3A_98 = arith.muli %parallel_loop3A_92, %parallel_loop3A_97 : i32
      %parallel_loop3A_99 = arith.constant 16 : i32
      %parallel_loop3A_100 = arith.addi %parallel_loop3A_98, %parallel_loop3A_99 : i32
      %parallel_loop3A_101 = arith.index_cast %parallel_loop3A_100 : i32 to index
      %parallel_loop3A_102 = tpu.vector_load %arg13[%parallel_loop3A_101] {strides = array<i32>} : memref<1040xf32, #tpu.memory_space<vmem>>, vector<16xf32>,
      tpu.vector_store %arg13[%parallel_loop3A_101], %parallel_loop3A_96 {strides = array<i32>} : memref<1040xf32, #tpu.memory_space<vmem>>, vector<16xf32>,
    } {sc.loop_unroll_factor = 8 : i64, sc.parallel_access}
    %dma_wait3A_35 = arith.constant 0 : i32
    %dma_wait3A_36 = tpu.memref_slice %arg3[%dma_wait3A_35] : memref<2097152xf32, #tpu.memory_space<hbm>> -> memref<2097152xf32, #tpu.memory_space<hbm>>
    tpu.wait_indirect_dma semaphore(%arg17 : memref<!tpu.dma_semaphore, #tpu.memory_space<semaphore_mem>>) src(%dma_wait3A_36 : memref<2097152xf32, #tpu.memory_space<hbm>>) dst(%arg10 : memref<2048xf32, #tpu.memory_space<vmem>>)
    %scan3A = arith.constant 0 : i32
    %scan3A_37 = arith.constant 0 : i32
    %scan3A_38 = arith.constant 128 : i32
    %scan3A_39 = arith.addi %scan3A_37, %scan3A_38 : i32
    %scan3A_40 = arith.constant 8 : i32
    scf.for %scan3A_92 = %scan3A_37 to %scan3A_39 step %scan3A_40  : i32 {
      %mul3A_93 = arith.constant 16 : i32
      %mul3A_94 = arith.muli %scan3A_92, %mul3A_93 : i32
      %get3A = arith.index_cast %mul3A_94 : i32 to index
      %get3A_95 = tpu.vector_load %arg6[%get3A] {strides = array<i32>} : memref<2048xi32, #tpu.memory_space<vmem>>, vector<16xi32>,
      %mul3A_96 = arith.constant 16 : i32
      %mul3A_97 = arith.muli %scan3A_92, %mul3A_96 : i32
      %get3A_98 = arith.index_cast %mul3A_97 : i32 to index
      %get3A_99 = tpu.vector_load %arg10[%get3A_98] {strides = array<i32>} : memref<2048xf32, #tpu.memory_space<vmem>>, vector<16xf32>,
      %add3A_100 = arith.constant 15 : i32
      %add3A_101 = vector.broadcast %add3A_100 : i32 to vector<16xi32>
      %add3A_102 = arith.addi %get3A_95, %add3A_101 : vector<16xi32>
      tpu.vector_store_idx %arg12[%add3A_102], %get3A_99 {add = true} : memref<1040xf32, #tpu.memory_space<vmem>>[vector<16xi32>], vector<16xf32>,
      %scan3A_103 = arith.constant 1 : i32
      %scan3A_104 = arith.addi %scan3A_92, %scan3A_103 : i32
      %mul3A_105 = arith.constant 16 : i32
      %mul3A_106 = arith.muli %scan3A_104, %mul3A_105 : i32
      %get3A_107 = arith.index_cast %mul3A_106 : i32 to index
      %get3A_108 = tpu.vector_load %arg6[%get3A_107] {strides = array<i32>} : memref<2048xi32, #tpu.memory_space<vmem>>, vector<16xi32>,
      %mul3A_109 = arith.constant 16 : i32
      %mul3A_110 = arith.muli %scan3A_104, %mul3A_109 : i32
      %get3A_111 = arith.index_cast %mul3A_110 : i32 to index
      %get3A_112 = tpu.vector_load %arg10[%get3A_111] {strides = array<i32>} : memref<2048xf32, #tpu.memory_space<vmem>>, vector<16xf32>,
      %add3A_113 = arith.constant 15 : i32
      %add3A_114 = vector.broadcast %add3A_113 : i32 to vector<16xi32>
      %add3A_115 = arith.addi %get3A_108, %add3A_114 : vector<16xi32>
      tpu.vector_store_idx %arg12[%add3A_115], %get3A_112 {add = true} : memref<1040xf32, #tpu.memory_space<vmem>>[vector<16xi32>], vector<16xf32>,
      %scan3A_116 = arith.constant 2 : i32
      %scan3A_117 = arith.addi %scan3A_92, %scan3A_116 : i32
      %mul3A_118 = arith.constant 16 : i32
      %mul3A_119 = arith.muli %scan3A_117, %mul3A_118 : i32
      %get3A_120 = arith.index_cast %mul3A_119 : i32 to index
      %get3A_121 = tpu.vector_load %arg6[%get3A_120] {strides = array<i32>} : memref<2048xi32, #tpu.memory_space<vmem>>, vector<16xi32>,
      %mul3A_122 = arith.constant 16 : i32
      %mul3A_123 = arith.muli %scan3A_117, %mul3A_122 : i32
      %get3A_124 = arith.index_cast %mul3A_123 : i32 to index
      %get3A_125 = tpu.vector_load %arg10[%get3A_124] {strides = array<i32>} : memref<2048xf32, #tpu.memory_space<vmem>>, vector<16xf32>,
      %add3A_126 = arith.constant 15 : i32
      %add3A_127 = vector.broadcast %add3A_126 : i32 to vector<16xi32>
      %add3A_128 = arith.addi %get3A_121, %add3A_127 : vector<16xi32>
      tpu.vector_store_idx %arg12[%add3A_128], %get3A_125 {add = true} : memref<1040xf32, #tpu.memory_space<vmem>>[vector<16xi32>], vector<16xf32>,
      %scan3A_129 = arith.constant 3 : i32
      %scan3A_130 = arith.addi %scan3A_92, %scan3A_129 : i32
      %mul3A_131 = arith.constant 16 : i32
      %mul3A_132 = arith.muli %scan3A_130, %mul3A_131 : i32
      %get3A_133 = arith.index_cast %mul3A_132 : i32 to index
      %get3A_134 = tpu.vector_load %arg6[%get3A_133] {strides = array<i32>} : memref<2048xi32, #tpu.memory_space<vmem>>, vector<16xi32>,
      %mul3A_135 = arith.constant 16 : i32
      %mul3A_136 = arith.muli %scan3A_130, %mul3A_135 : i32
      %get3A_137 = arith.index_cast %mul3A_136 : i32 to index
      %get3A_138 = tpu.vector_load %arg10[%get3A_137] {strides = array<i32>} : memref<2048xf32, #tpu.memory_space<vmem>>, vector<16xf32>,
      %add3A_139 = arith.constant 15 : i32
      %add3A_140 = vector.broadcast %add3A_139 : i32 to vector<16xi32>
      %add3A_141 = arith.addi %get3A_134, %add3A_140 : vector<16xi32>
      tpu.vector_store_idx %arg12[%add3A_141], %get3A_138 {add = true} : memref<1040xf32, #tpu.memory_space<vmem>>[vector<16xi32>], vector<16xf32>,
      %scan3A_142 = arith.constant 4 : i32
      %scan3A_143 = arith.addi %scan3A_92, %scan3A_142 : i32
      %mul3A_144 = arith.constant 16 : i32
      %mul3A_145 = arith.muli %scan3A_143, %mul3A_144 : i32
      %get3A_146 = arith.index_cast %mul3A_145 : i32 to index
      %get3A_147 = tpu.vector_load %arg6[%get3A_146] {strides = array<i32>} : memref<2048xi32, #tpu.memory_space<vmem>>, vector<16xi32>,
      %mul3A_148 = arith.constant 16 : i32
      %mul3A_149 = arith.muli %scan3A_143, %mul3A_148 : i32
      %get3A_150 = arith.index_cast %mul3A_149 : i32 to index
      %get3A_151 = tpu.vector_load %arg10[%get3A_150] {strides = array<i32>} : memref<2048xf32, #tpu.memory_space<vmem>>, vector<16xf32>,
      %add3A_152 = arith.constant 15 : i32
      %add3A_153 = vector.broadcast %add3A_152 : i32 to vector<16xi32>
      %add3A_154 = arith.addi %get3A_147, %add3A_153 : vector<16xi32>
      tpu.vector_store_idx %arg12[%add3A_154], %get3A_151 {add = true} : memref<1040xf32, #tpu.memory_space<vmem>>[vector<16xi32>], vector<16xf32>,
      %scan3A_155 = arith.constant 5 : i32
      %scan3A_156 = arith.addi %scan3A_92, %scan3A_155 : i32
      %mul3A_157 = arith.constant 16 : i32
      %mul3A_158 = arith.muli %scan3A_156, %mul3A_157 : i32
      %get3A_159 = arith.index_cast %mul3A_158 : i32 to index
      %get3A_160 = tpu.vector_load %arg6[%get3A_159] {strides = array<i32>} : memref<2048xi32, #tpu.memory_space<vmem>>, vector<16xi32>,
      %mul3A_161 = arith.constant 16 : i32
      %mul3A_162 = arith.muli %scan3A_156, %mul3A_161 : i32
      %get3A_163 = arith.index_cast %mul3A_162 : i32 to index
      %get3A_164 = tpu.vector_load %arg10[%get3A_163] {strides = array<i32>} : memref<2048xf32, #tpu.memory_space<vmem>>, vector<16xf32>,
      %add3A_165 = arith.constant 15 : i32
      %add3A_166 = vector.broadcast %add3A_165 : i32 to vector<16xi32>
      %add3A_167 = arith.addi %get3A_160, %add3A_166 : vector<16xi32>
      tpu.vector_store_idx %arg12[%add3A_167], %get3A_164 {add = true} : memref<1040xf32, #tpu.memory_space<vmem>>[vector<16xi32>], vector<16xf32>,
      %scan3A_168 = arith.constant 6 : i32
      %scan3A_169 = arith.addi %scan3A_92, %scan3A_168 : i32
      %mul3A_170 = arith.constant 16 : i32
      %mul3A_171 = arith.muli %scan3A_169, %mul3A_170 : i32
      %get3A_172 = arith.index_cast %mul3A_171 : i32 to index
      %get3A_173 = tpu.vector_load %arg6[%get3A_172] {strides = array<i32>} : memref<2048xi32, #tpu.memory_space<vmem>>, vector<16xi32>,
      %mul3A_174 = arith.constant 16 : i32
      %mul3A_175 = arith.muli %scan3A_169, %mul3A_174 : i32
      %get3A_176 = arith.index_cast %mul3A_175 : i32 to index
      %get3A_177 = tpu.vector_load %arg10[%get3A_176] {strides = array<i32>} : memref<2048xf32, #tpu.memory_space<vmem>>, vector<16xf32>,
      %add3A_178 = arith.constant 15 : i32
      %add3A_179 = vector.broadcast %add3A_178 : i32 to vector<16xi32>
      %add3A_180 = arith.addi %get3A_173, %add3A_179 : vector<16xi32>
      tpu.vector_store_idx %arg12[%add3A_180], %get3A_177 {add = true} : memref<1040xf32, #tpu.memory_space<vmem>>[vector<16xi32>], vector<16xf32>,
      %scan3A_181 = arith.constant 7 : i32
      %scan3A_182 = arith.addi %scan3A_92, %scan3A_181 : i32
      %mul3A_183 = arith.constant 16 : i32
      %mul3A_184 = arith.muli %scan3A_182, %mul3A_183 : i32
      %get3A_185 = arith.index_cast %mul3A_184 : i32 to index
      %get3A_186 = tpu.vector_load %arg6[%get3A_185] {strides = array<i32>} : memref<2048xi32, #tpu.memory_space<vmem>>, vector<16xi32>,
      %mul3A_187 = arith.constant 16 : i32
      %mul3A_188 = arith.muli %scan3A_182, %mul3A_187 : i32
      %get3A_189 = arith.index_cast %mul3A_188 : i32 to index
      %get3A_190 = tpu.vector_load %arg10[%get3A_189] {strides = array<i32>} : memref<2048xf32, #tpu.memory_space<vmem>>, vector<16xf32>,
      %add3A_191 = arith.constant 15 : i32
      %add3A_192 = vector.broadcast %add3A_191 : i32 to vector<16xi32>
      %add3A_193 = arith.addi %get3A_186, %add3A_192 : vector<16xi32>
      tpu.vector_store_idx %arg12[%add3A_193], %get3A_190 {add = true} : memref<1040xf32, #tpu.memory_space<vmem>>[vector<16xi32>], vector<16xf32>,
    }
    %scan3A_41 = arith.constant 128 : i32
    %sub3A_42 = arith.constant 1 : i32
    %sub3A_43 = arith.subi %add3A_21, %sub3A_42 : i32
    %dma_start3A_44 = arith.constant 16 : i32
    %dma_start3A_45 = tpu.memref_slice %arg12[%dma_start3A_44] : memref<1040xf32, #tpu.memory_space<vmem>> -> memref<1024xf32, #tpu.memory_space<vmem>>
    %dma_start3A_46 = arith.constant 0 : i32
    %dma_start3A_47 = tpu.memref_slice %arg5[%sub3A_43, %dma_start3A_46] : memref<4096x1024xf32, #tpu.memory_space<hbm>> -> memref<1x1024xf32, #tpu.memory_space<hbm>>
    %dma_start3A_48 = tpu.memref_squeeze %dma_start3A_47 : memref<1x1024xf32, #tpu.memory_space<hbm>> -> memref<1024xf32, #tpu.memory_space<hbm>>
    %dma_start3A_49 = arith.constant 0 : i32
    %dma_start3A_50 = tpu.memref_slice %arg5[%sub3A_43, %dma_start3A_49] : memref<4096x1024xf32, #tpu.memory_space<hbm>> -> memref<1x1024xf32, #tpu.memory_space<hbm>>
    %dma_start3A_51 = tpu.memref_squeeze %dma_start3A_50 : memref<1x1024xf32, #tpu.memory_space<hbm>> -> memref<1024xf32, #tpu.memory_space<hbm>>
    %dma_start3A_52 = arith.constant 16 : i32
    %dma_start3A_53 = tpu.memref_slice %arg12[%dma_start3A_52] : memref<1040xf32, #tpu.memory_space<vmem>> -> memref<1024xf32, #tpu.memory_space<vmem>>
    tpu.enqueue_dma source(%dma_start3A_53 : memref<1024xf32, #tpu.memory_space<vmem>>) target(%dma_start3A_51 : memref<1024xf32, #tpu.memory_space<hbm>>) target_semaphore(%arg19 : memref<!tpu.dma_semaphore, #tpu.memory_space<semaphore_mem>>)
    %add3A_54 = arith.constant 1 : i32
    %add3A_55 = arith.addi %add3A_21, %add3A_54 : i32
    %min3A = arith.minsi %add3A_55, %sub3A_5 : i32
    %dma_start3A_56 = arith.constant 0 : i32
    %dma_start3A_57 = tpu.memref_slice %arg2[%min3A, %dma_start3A_56] : memref<4096x2048xi32, #tpu.memory_space<hbm>> -> memref<1x2048xi32, #tpu.memory_space<hbm>>
    %dma_start3A_58 = tpu.memref_squeeze %dma_start3A_57 : memref<1x2048xi32, #tpu.memory_space<hbm>> -> memref<2048xi32, #tpu.memory_space<hbm>>
    %dma_start3A_59 = arith.constant 0 : i32
    %dma_start3A_60 = tpu.memref_slice %arg2[%min3A, %dma_start3A_59] : memref<4096x2048xi32, #tpu.memory_space<hbm>> -> memref<1x2048xi32, #tpu.memory_space<hbm>>
    %dma_start3A_61 = tpu.memref_squeeze %dma_start3A_60 : memref<1x2048xi32, #tpu.memory_space<hbm>> -> memref<2048xi32, #tpu.memory_space<hbm>>
    tpu.enqueue_dma source(%dma_start3A_61 : memref<2048xi32, #tpu.memory_space<hbm>>) target(%arg6 : memref<2048xi32, #tpu.memory_space<vmem>>) target_semaphore(%arg15 : memref<!tpu.dma_semaphore, #tpu.memory_space<semaphore_mem>>)
    %scan3A_62 = arith.constant 0 : i32
    %scan3A_63 = arith.constant 1 : i32
    %scan3A_64 = arith.constant 63 : i32
    %scan3A_65 = arith.addi %scan3A_63, %scan3A_64 : i32
    %scan3A_66 = arith.constant 1 : i32
    scf.for %scan3A_92 = %scan3A_63 to %scan3A_65 step %scan3A_66  : i32 {
      %mul3A_93 = arith.constant 2 : i32
      %mul3A_94 = arith.muli %mul3A_93, %scan3A_92 : i32
      %add3A_95 = arith.addi %mul3A_2, %mul3A_94 : i32
      %dma_wait3A_96 = arith.constant 0 : i32
      %dma_wait3A_97 = tpu.memref_slice %arg2[%add3A_95, %dma_wait3A_96] : memref<4096x2048xi32, #tpu.memory_space<hbm>> -> memref<1x2048xi32, #tpu.memory_space<hbm>>
      %dma_wait3A_98 = tpu.memref_squeeze %dma_wait3A_97 : memref<1x2048xi32, #tpu.memory_space<hbm>> -> memref<2048xi32, #tpu.memory_space<hbm>>
      %dma_wait3A_99 = arith.constant 0 : i32
      %dma_wait3A_100 = tpu.memref_slice %arg2[%add3A_95, %dma_wait3A_99] : memref<4096x2048xi32, #tpu.memory_space<hbm>> -> memref<1x2048xi32, #tpu.memory_space<hbm>>
      %dma_wait3A_101 = tpu.memref_squeeze %dma_wait3A_100 : memref<1x2048xi32, #tpu.memory_space<hbm>> -> memref<2048xi32, #tpu.memory_space<hbm>>
      tpu.wait_dma2 semaphore(%arg15 : memref<!tpu.dma_semaphore, #tpu.memory_space<semaphore_mem>>) src(%dma_wait3A_101 : memref<2048xi32, #tpu.memory_space<hbm>>) dst(%arg6 : memref<2048xi32, #tpu.memory_space<vmem>>)
      %parallel_loop3A_102 = arith.constant 0 : i32
      %parallel_loop3A_103 = arith.constant 128 : i32
      %parallel_loop3A_104 = arith.constant 1 : i32
      scf.for %parallel_loop3A_207 = %parallel_loop3A_102 to %parallel_loop3A_103 step %parallel_loop3A_104  : i32 {
        %parallel_loop3A_208 = arith.constant 16 : i32
        %parallel_loop3A_209 = arith.muli %parallel_loop3A_207, %parallel_loop3A_208 : i32
        %parallel_loop3A_210 = arith.index_cast %parallel_loop3A_209 : i32 to index
        %parallel_loop3A_211 = tpu.vector_load %arg6[%parallel_loop3A_210] {strides = array<i32>} : memref<2048xi32, #tpu.memory_space<vmem>>, vector<16xi32>,
        %parallel_loop3A_212 = arith.constant 2048 : i32
        %parallel_loop3A_213 = vector.broadcast %parallel_loop3A_212 : i32 to vector<16xi32>
        %parallel_loop3A_214 = arith.muli %parallel_loop3A_211, %parallel_loop3A_213 : vector<16xi32>
        %parallel_loop3A_215 = arith.constant 16 : i32
        %parallel_loop3A_216 = arith.muli %parallel_loop3A_207, %parallel_loop3A_215 : i32
        %parallel_loop3A_217 = arith.constant 2048 : i32
        %parallel_loop3A_218 = arith.subi %parallel_loop3A_216, %parallel_loop3A_217 : i32
        %parallel_loop3A_219 = vector.broadcast %parallel_loop3A_218 : i32 to vector<16xi32>
        %parallel_loop3A_220 = arith.addi %iota3A, %parallel_loop3A_219 : vector<16xi32>
        %parallel_loop3A_221 = arith.addi %parallel_loop3A_214, %parallel_loop3A_220 : vector<16xi32>
        %parallel_loop3A_222 = arith.constant 0 : i32
        %parallel_loop3A_223 = vector.broadcast %parallel_loop3A_222 : i32 to vector<16xi32>
        %parallel_loop3A_224 = arith.maxsi %parallel_loop3A_221, %parallel_loop3A_223 : vector<16xi32>
        %parallel_loop3A_225 = arith.constant 16 : i32
        %parallel_loop3A_226 = arith.muli %parallel_loop3A_207, %parallel_loop3A_225 : i32
        %parallel_loop3A_227 = arith.index_cast %parallel_loop3A_226 : i32 to index
        %parallel_loop3A_228 = tpu.vector_load %arg8[%parallel_loop3A_227] {strides = array<i32>} : memref<2048xi32, #tpu.memory_space<vmem>>, vector<16xi32>,
        tpu.vector_store %arg8[%parallel_loop3A_227], %parallel_loop3A_224 {strides = array<i32>} : memref<2048xi32, #tpu.memory_space<vmem>>, vector<16xi32>,
      } {sc.loop_unroll_factor = 8 : i64, sc.parallel_access}
      %dma_start3A_105 = arith.constant 0 : i32
      %dma_start3A_106 = tpu.memref_slice %arg3[%dma_start3A_105] : memref<2097152xf32, #tpu.memory_space<hbm>> -> memref<2097152xf32, #tpu.memory_space<hbm>>
      tpu.enqueue_indirect_dma source(%dma_start3A_106 : memref<2097152xf32, #tpu.memory_space<hbm>>) target(%arg10 : memref<2048xf32, #tpu.memory_space<vmem>>) offsets(%arg8 : memref<2048xi32, #tpu.memory_space<vmem>>) semaphore(%arg17 : memref<!tpu.dma_semaphore, #tpu.memory_space<semaphore_mem>>)
      %dma_wait3A_107 = arith.constant 16 : i32
      %dma_wait3A_108 = tpu.memref_slice %arg12[%dma_wait3A_107] : memref<1040xf32, #tpu.memory_space<vmem>> -> memref<1024xf32, #tpu.memory_space<vmem>>
      %dma_wait3A_109 = arith.constant 0 : i32
      %dma_wait3A_110 = tpu.memref_slice %arg5[%add3A_95, %dma_wait3A_109] : memref<4096x1024xf32, #tpu.memory_space<hbm>> -> memref<1x1024xf32, #tpu.memory_space<hbm>>
      %dma_wait3A_111 = tpu.memref_squeeze %dma_wait3A_110 : memref<1x1024xf32, #tpu.memory_space<hbm>> -> memref<1024xf32, #tpu.memory_space<hbm>>
      %dma_wait3A_112 = arith.constant 0 : i32
      %dma_wait3A_113 = tpu.memref_slice %arg5[%add3A_95, %dma_wait3A_112] : memref<4096x1024xf32, #tpu.memory_space<hbm>> -> memref<1x1024xf32, #tpu.memory_space<hbm>>
      %dma_wait3A_114 = tpu.memref_squeeze %dma_wait3A_113 : memref<1x1024xf32, #tpu.memory_space<hbm>> -> memref<1024xf32, #tpu.memory_space<hbm>>
      %dma_wait3A_115 = arith.constant 16 : i32
      %dma_wait3A_116 = tpu.memref_slice %arg12[%dma_wait3A_115] : memref<1040xf32, #tpu.memory_space<vmem>> -> memref<1024xf32, #tpu.memory_space<vmem>>
      tpu.wait_dma2 semaphore(%arg19 : memref<!tpu.dma_semaphore, #tpu.memory_space<semaphore_mem>>) src(%dma_wait3A_116 : memref<1024xf32, #tpu.memory_space<vmem>>) dst(%dma_wait3A_114 : memref<1024xf32, #tpu.memory_space<hbm>>)
      %parallel_loop3A_117 = arith.constant 0 : i32
      %parallel_loop3A_118 = arith.constant 64 : i32
      %parallel_loop3A_119 = arith.constant 1 : i32
      scf.for %parallel_loop3A_207 = %parallel_loop3A_117 to %parallel_loop3A_118 step %parallel_loop3A_119  : i32 {
        %parallel_loop3A_208 = arith.constant 16 : i32
        %parallel_loop3A_209 = arith.muli %parallel_loop3A_207, %parallel_loop3A_208 : i32
        %parallel_loop3A_210 = arith.index_cast %parallel_loop3A_209 : i32 to index
        %parallel_loop3A_211 = tpu.vector_load %arg14[%parallel_loop3A_210] {strides = array<i32>} : memref<1024xf32, #tpu.memory_space<vmem>>, vector<16xf32>,
        %parallel_loop3A_212 = arith.constant 16 : i32
        %parallel_loop3A_213 = arith.muli %parallel_loop3A_207, %parallel_loop3A_212 : i32
        %parallel_loop3A_214 = arith.constant 16 : i32
        %parallel_loop3A_215 = arith.addi %parallel_loop3A_213, %parallel_loop3A_214 : i32
        %parallel_loop3A_216 = arith.index_cast %parallel_loop3A_215 : i32 to index
        %parallel_loop3A_217 = tpu.vector_load %arg12[%parallel_loop3A_216] {strides = array<i32>} : memref<1040xf32, #tpu.memory_space<vmem>>, vector<16xf32>,
        tpu.vector_store %arg12[%parallel_loop3A_216], %parallel_loop3A_211 {strides = array<i32>} : memref<1040xf32, #tpu.memory_space<vmem>>, vector<16xf32>,
      } {sc.loop_unroll_factor = 8 : i64, sc.parallel_access}
      %dma_wait3A_120 = arith.constant 0 : i32
      %dma_wait3A_121 = tpu.memref_slice %arg3[%dma_wait3A_120] : memref<2097152xf32, #tpu.memory_space<hbm>> -> memref<2097152xf32, #tpu.memory_space<hbm>>
      tpu.wait_indirect_dma semaphore(%arg18 : memref<!tpu.dma_semaphore, #tpu.memory_space<semaphore_mem>>) src(%dma_wait3A_121 : memref<2097152xf32, #tpu.memory_space<hbm>>) dst(%arg11 : memref<2048xf32, #tpu.memory_space<vmem>>)
      %scan3A_122 = arith.constant 0 : i32
      %scan3A_123 = arith.constant 0 : i32
      %scan3A_124 = arith.constant 128 : i32
      %scan3A_125 = arith.addi %scan3A_123, %scan3A_124 : i32
      %scan3A_126 = arith.constant 8 : i32
      scf.for %scan3A_207 = %scan3A_123 to %scan3A_125 step %scan3A_126  : i32 {
        %mul3A_208 = arith.constant 16 : i32
        %mul3A_209 = arith.muli %scan3A_207, %mul3A_208 : i32
        %get3A = arith.index_cast %mul3A_209 : i32 to index
        %get3A_210 = tpu.vector_load %arg7[%get3A] {strides = array<i32>} : memref<2048xi32, #tpu.memory_space<vmem>>, vector<16xi32>,
        %mul3A_211 = arith.constant 16 : i32
        %mul3A_212 = arith.muli %scan3A_207, %mul3A_211 : i32
        %get3A_213 = arith.index_cast %mul3A_212 : i32 to index
        %get3A_214 = tpu.vector_load %arg11[%get3A_213] {strides = array<i32>} : memref<2048xf32, #tpu.memory_space<vmem>>, vector<16xf32>,
        %add3A_215 = arith.constant 15 : i32
        %add3A_216 = vector.broadcast %add3A_215 : i32 to vector<16xi32>
        %add3A_217 = arith.addi %get3A_210, %add3A_216 : vector<16xi32>
        tpu.vector_store_idx %arg13[%add3A_217], %get3A_214 {add = true} : memref<1040xf32, #tpu.memory_space<vmem>>[vector<16xi32>], vector<16xf32>,
        %scan3A_218 = arith.constant 1 : i32
        %scan3A_219 = arith.addi %scan3A_207, %scan3A_218 : i32
        %mul3A_220 = arith.constant 16 : i32
        %mul3A_221 = arith.muli %scan3A_219, %mul3A_220 : i32
        %get3A_222 = arith.index_cast %mul3A_221 : i32 to index
        %get3A_223 = tpu.vector_load %arg7[%get3A_222] {strides = array<i32>} : memref<2048xi32, #tpu.memory_space<vmem>>, vector<16xi32>,
        %mul3A_224 = arith.constant 16 : i32
        %mul3A_225 = arith.muli %scan3A_219, %mul3A_224 : i32
        %get3A_226 = arith.index_cast %mul3A_225 : i32 to index
        %get3A_227 = tpu.vector_load %arg11[%get3A_226] {strides = array<i32>} : memref<2048xf32, #tpu.memory_space<vmem>>, vector<16xf32>,
        %add3A_228 = arith.constant 15 : i32
        %add3A_229 = vector.broadcast %add3A_228 : i32 to vector<16xi32>
        %add3A_230 = arith.addi %get3A_223, %add3A_229 : vector<16xi32>
        tpu.vector_store_idx %arg13[%add3A_230], %get3A_227 {add = true} : memref<1040xf32, #tpu.memory_space<vmem>>[vector<16xi32>], vector<16xf32>,
        %scan3A_231 = arith.constant 2 : i32
        %scan3A_232 = arith.addi %scan3A_207, %scan3A_231 : i32
        %mul3A_233 = arith.constant 16 : i32
        %mul3A_234 = arith.muli %scan3A_232, %mul3A_233 : i32
        %get3A_235 = arith.index_cast %mul3A_234 : i32 to index
        %get3A_236 = tpu.vector_load %arg7[%get3A_235] {strides = array<i32>} : memref<2048xi32, #tpu.memory_space<vmem>>, vector<16xi32>,
        %mul3A_237 = arith.constant 16 : i32
        %mul3A_238 = arith.muli %scan3A_232, %mul3A_237 : i32
        %get3A_239 = arith.index_cast %mul3A_238 : i32 to index
        %get3A_240 = tpu.vector_load %arg11[%get3A_239] {strides = array<i32>} : memref<2048xf32, #tpu.memory_space<vmem>>, vector<16xf32>,
        %add3A_241 = arith.constant 15 : i32
        %add3A_242 = vector.broadcast %add3A_241 : i32 to vector<16xi32>
        %add3A_243 = arith.addi %get3A_236, %add3A_242 : vector<16xi32>
        tpu.vector_store_idx %arg13[%add3A_243], %get3A_240 {add = true} : memref<1040xf32, #tpu.memory_space<vmem>>[vector<16xi32>], vector<16xf32>,
        %scan3A_244 = arith.constant 3 : i32
        %scan3A_245 = arith.addi %scan3A_207, %scan3A_244 : i32
        %mul3A_246 = arith.constant 16 : i32
        %mul3A_247 = arith.muli %scan3A_245, %mul3A_246 : i32
        %get3A_248 = arith.index_cast %mul3A_247 : i32 to index
        %get3A_249 = tpu.vector_load %arg7[%get3A_248] {strides = array<i32>} : memref<2048xi32, #tpu.memory_space<vmem>>, vector<16xi32>,
        %mul3A_250 = arith.constant 16 : i32
        %mul3A_251 = arith.muli %scan3A_245, %mul3A_250 : i32
        %get3A_252 = arith.index_cast %mul3A_251 : i32 to index
        %get3A_253 = tpu.vector_load %arg11[%get3A_252] {strides = array<i32>} : memref<2048xf32, #tpu.memory_space<vmem>>, vector<16xf32>,
        %add3A_254 = arith.constant 15 : i32
        %add3A_255 = vector.broadcast %add3A_254 : i32 to vector<16xi32>
        %add3A_256 = arith.addi %get3A_249, %add3A_255 : vector<16xi32>
        tpu.vector_store_idx %arg13[%add3A_256], %get3A_253 {add = true} : memref<1040xf32, #tpu.memory_space<vmem>>[vector<16xi32>], vector<16xf32>,
        %scan3A_257 = arith.constant 4 : i32
        %scan3A_258 = arith.addi %scan3A_207, %scan3A_257 : i32
        %mul3A_259 = arith.constant 16 : i32
        %mul3A_260 = arith.muli %scan3A_258, %mul3A_259 : i32
        %get3A_261 = arith.index_cast %mul3A_260 : i32 to index
        %get3A_262 = tpu.vector_load %arg7[%get3A_261] {strides = array<i32>} : memref<2048xi32, #tpu.memory_space<vmem>>, vector<16xi32>,
        %mul3A_263 = arith.constant 16 : i32
        %mul3A_264 = arith.muli %scan3A_258, %mul3A_263 : i32
        %get3A_265 = arith.index_cast %mul3A_264 : i32 to index
        %get3A_266 = tpu.vector_load %arg11[%get3A_265] {strides = array<i32>} : memref<2048xf32, #tpu.memory_space<vmem>>, vector<16xf32>,
        %add3A_267 = arith.constant 15 : i32
        %add3A_268 = vector.broadcast %add3A_267 : i32 to vector<16xi32>
        %add3A_269 = arith.addi %get3A_262, %add3A_268 : vector<16xi32>
        tpu.vector_store_idx %arg13[%add3A_269], %get3A_266 {add = true} : memref<1040xf32, #tpu.memory_space<vmem>>[vector<16xi32>], vector<16xf32>,
        %scan3A_270 = arith.constant 5 : i32
        %scan3A_271 = arith.addi %scan3A_207, %scan3A_270 : i32
        %mul3A_272 = arith.constant 16 : i32
        %mul3A_273 = arith.muli %scan3A_271, %mul3A_272 : i32
        %get3A_274 = arith.index_cast %mul3A_273 : i32 to index
        %get3A_275 = tpu.vector_load %arg7[%get3A_274] {strides = array<i32>} : memref<2048xi32, #tpu.memory_space<vmem>>, vector<16xi32>,
        %mul3A_276 = arith.constant 16 : i32
        %mul3A_277 = arith.muli %scan3A_271, %mul3A_276 : i32
        %get3A_278 = arith.index_cast %mul3A_277 : i32 to index
        %get3A_279 = tpu.vector_load %arg11[%get3A_278] {strides = array<i32>} : memref<2048xf32, #tpu.memory_space<vmem>>, vector<16xf32>,
        %add3A_280 = arith.constant 15 : i32
        %add3A_281 = vector.broadcast %add3A_280 : i32 to vector<16xi32>
        %add3A_282 = arith.addi %get3A_275, %add3A_281 : vector<16xi32>
        tpu.vector_store_idx %arg13[%add3A_282], %get3A_279 {add = true} : memref<1040xf32, #tpu.memory_space<vmem>>[vector<16xi32>], vector<16xf32>,
        %scan3A_283 = arith.constant 6 : i32
        %scan3A_284 = arith.addi %scan3A_207, %scan3A_283 : i32
        %mul3A_285 = arith.constant 16 : i32
        %mul3A_286 = arith.muli %scan3A_284, %mul3A_285 : i32
        %get3A_287 = arith.index_cast %mul3A_286 : i32 to index
        %get3A_288 = tpu.vector_load %arg7[%get3A_287] {strides = array<i32>} : memref<2048xi32, #tpu.memory_space<vmem>>, vector<16xi32>,
        %mul3A_289 = arith.constant 16 : i32
        %mul3A_290 = arith.muli %scan3A_284, %mul3A_289 : i32
        %get3A_291 = arith.index_cast %mul3A_290 : i32 to index
        %get3A_292 = tpu.vector_load %arg11[%get3A_291] {strides = array<i32>} : memref<2048xf32, #tpu.memory_space<vmem>>, vector<16xf32>,
        %add3A_293 = arith.constant 15 : i32
        %add3A_294 = vector.broadcast %add3A_293 : i32 to vector<16xi32>
        %add3A_295 = arith.addi %get3A_288, %add3A_294 : vector<16xi32>
        tpu.vector_store_idx %arg13[%add3A_295], %get3A_292 {add = true} : memref<1040xf32, #tpu.memory_space<vmem>>[vector<16xi32>], vector<16xf32>,
        %scan3A_296 = arith.constant 7 : i32
        %scan3A_297 = arith.addi %scan3A_207, %scan3A_296 : i32
        %mul3A_298 = arith.constant 16 : i32
        %mul3A_299 = arith.muli %scan3A_297, %mul3A_298 : i32
        %get3A_300 = arith.index_cast %mul3A_299 : i32 to index
        %get3A_301 = tpu.vector_load %arg7[%get3A_300] {strides = array<i32>} : memref<2048xi32, #tpu.memory_space<vmem>>, vector<16xi32>,
        %mul3A_302 = arith.constant 16 : i32
        %mul3A_303 = arith.muli %scan3A_297, %mul3A_302 : i32
        %get3A_304 = arith.index_cast %mul3A_303 : i32 to index
        %get3A_305 = tpu.vector_load %arg11[%get3A_304] {strides = array<i32>} : memref<2048xf32, #tpu.memory_space<vmem>>, vector<16xf32>,
        %add3A_306 = arith.constant 15 : i32
        %add3A_307 = vector.broadcast %add3A_306 : i32 to vector<16xi32>
        %add3A_308 = arith.addi %get3A_301, %add3A_307 : vector<16xi32>
        tpu.vector_store_idx %arg13[%add3A_308], %get3A_305 {add = true} : memref<1040xf32, #tpu.memory_space<vmem>>[vector<16xi32>], vector<16xf32>,
      }
      %scan3A_127 = arith.constant 128 : i32
      %sub3A_128 = arith.constant 1 : i32
      %sub3A_129 = arith.subi %add3A_95, %sub3A_128 : i32
      %dma_start3A_130 = arith.constant 16 : i32
      %dma_start3A_131 = tpu.memref_slice %arg13[%dma_start3A_130] : memref<1040xf32, #tpu.memory_space<vmem>> -> memref<1024xf32, #tpu.memory_space<vmem>>
      %dma_start3A_132 = arith.constant 0 : i32
      %dma_start3A_133 = tpu.memref_slice %arg5[%sub3A_129, %dma_start3A_132] : memref<4096x1024xf32, #tpu.memory_space<hbm>> -> memref<1x1024xf32, #tpu.memory_space<hbm>>
      %dma_start3A_134 = tpu.memref_squeeze %dma_start3A_133 : memref<1x1024xf32, #tpu.memory_space<hbm>> -> memref<1024xf32, #tpu.memory_space<hbm>>
      %dma_start3A_135 = arith.constant 0 : i32
      %dma_start3A_136 = tpu.memref_slice %arg5[%sub3A_129, %dma_start3A_135] : memref<4096x1024xf32, #tpu.memory_space<hbm>> -> memref<1x1024xf32, #tpu.memory_space<hbm>>
      %dma_start3A_137 = tpu.memref_squeeze %dma_start3A_136 : memref<1x1024xf32, #tpu.memory_space<hbm>> -> memref<1024xf32, #tpu.memory_space<hbm>>
      %dma_start3A_138 = arith.constant 16 : i32
      %dma_start3A_139 = tpu.memref_slice %arg13[%dma_start3A_138] : memref<1040xf32, #tpu.memory_space<vmem>> -> memref<1024xf32, #tpu.memory_space<vmem>>
      tpu.enqueue_dma source(%dma_start3A_139 : memref<1024xf32, #tpu.memory_space<vmem>>) target(%dma_start3A_137 : memref<1024xf32, #tpu.memory_space<hbm>>) target_semaphore(%arg20 : memref<!tpu.dma_semaphore, #tpu.memory_space<semaphore_mem>>)
      %add3A_140 = arith.constant 1 : i32
      %add3A_141 = arith.addi %add3A_95, %add3A_140 : i32
      %min3A_142 = arith.minsi %add3A_141, %sub3A_5 : i32
      %dma_start3A_143 = arith.constant 0 : i32
      %dma_start3A_144 = tpu.memref_slice %arg2[%min3A_142, %dma_start3A_143] : memref<4096x2048xi32, #tpu.memory_space<hbm>> -> memref<1x2048xi32, #tpu.memory_space<hbm>>
      %dma_start3A_145 = tpu.memref_squeeze %dma_start3A_144 : memref<1x2048xi32, #tpu.memory_space<hbm>> -> memref<2048xi32, #tpu.memory_space<hbm>>
      %dma_start3A_146 = arith.constant 0 : i32
      %dma_start3A_147 = tpu.memref_slice %arg2[%min3A_142, %dma_start3A_146] : memref<4096x2048xi32, #tpu.memory_space<hbm>> -> memref<1x2048xi32, #tpu.memory_space<hbm>>
      %dma_start3A_148 = tpu.memref_squeeze %dma_start3A_147 : memref<1x2048xi32, #tpu.memory_space<hbm>> -> memref<2048xi32, #tpu.memory_space<hbm>>
      tpu.enqueue_dma source(%dma_start3A_148 : memref<2048xi32, #tpu.memory_space<hbm>>) target(%arg7 : memref<2048xi32, #tpu.memory_space<vmem>>) target_semaphore(%arg16 : memref<!tpu.dma_semaphore, #tpu.memory_space<semaphore_mem>>)
      %mul3A_149 = arith.constant 2 : i32
      %mul3A_150 = arith.muli %mul3A_149, %scan3A_92 : i32
      %add3A_151 = arith.constant 1 : i32
      %add3A_152 = arith.addi %mul3A_150, %add3A_151 : i32
      %add3A_153 = arith.addi %mul3A_2, %add3A_152 : i32
      %dma_wait3A_154 = arith.constant 0 : i32
      %dma_wait3A_155 = tpu.memref_slice %arg2[%add3A_153, %dma_wait3A_154] : memref<4096x2048xi32, #tpu.memory_space<hbm>> -> memref<1x2048xi32, #tpu.memory_space<hbm>>
      %dma_wait3A_156 = tpu.memref_squeeze %dma_wait3A_155 : memref<1x2048xi32, #tpu.memory_space<hbm>> -> memref<2048xi32, #tpu.memory_space<hbm>>
      %dma_wait3A_157 = arith.constant 0 : i32
      %dma_wait3A_158 = tpu.memref_slice %arg2[%add3A_153, %dma_wait3A_157] : memref<4096x2048xi32, #tpu.memory_space<hbm>> -> memref<1x2048xi32, #tpu.memory_space<hbm>>
      %dma_wait3A_159 = tpu.memref_squeeze %dma_wait3A_158 : memref<1x2048xi32, #tpu.memory_space<hbm>> -> memref<2048xi32, #tpu.memory_space<hbm>>
      tpu.wait_dma2 semaphore(%arg16 : memref<!tpu.dma_semaphore, #tpu.memory_space<semaphore_mem>>) src(%dma_wait3A_159 : memref<2048xi32, #tpu.memory_space<hbm>>) dst(%arg7 : memref<2048xi32, #tpu.memory_space<vmem>>)
      %parallel_loop3A_160 = arith.constant 0 : i32
      %parallel_loop3A_161 = arith.constant 128 : i32
      %parallel_loop3A_162 = arith.constant 1 : i32
      scf.for %parallel_loop3A_207 = %parallel_loop3A_160 to %parallel_loop3A_161 step %parallel_loop3A_162  : i32 {
        %parallel_loop3A_208 = arith.constant 16 : i32
        %parallel_loop3A_209 = arith.muli %parallel_loop3A_207, %parallel_loop3A_208 : i32
        %parallel_loop3A_210 = arith.index_cast %parallel_loop3A_209 : i32 to index
        %parallel_loop3A_211 = tpu.vector_load %arg7[%parallel_loop3A_210] {strides = array<i32>} : memref<2048xi32, #tpu.memory_space<vmem>>, vector<16xi32>,
        %parallel_loop3A_212 = arith.constant 2048 : i32
        %parallel_loop3A_213 = vector.broadcast %parallel_loop3A_212 : i32 to vector<16xi32>
        %parallel_loop3A_214 = arith.muli %parallel_loop3A_211, %parallel_loop3A_213 : vector<16xi32>
        %parallel_loop3A_215 = arith.constant 16 : i32
        %parallel_loop3A_216 = arith.muli %parallel_loop3A_207, %parallel_loop3A_215 : i32
        %parallel_loop3A_217 = arith.constant 2048 : i32
        %parallel_loop3A_218 = arith.subi %parallel_loop3A_216, %parallel_loop3A_217 : i32
        %parallel_loop3A_219 = vector.broadcast %parallel_loop3A_218 : i32 to vector<16xi32>
        %parallel_loop3A_220 = arith.addi %iota3A, %parallel_loop3A_219 : vector<16xi32>
        %parallel_loop3A_221 = arith.addi %parallel_loop3A_214, %parallel_loop3A_220 : vector<16xi32>
        %parallel_loop3A_222 = arith.constant 0 : i32
        %parallel_loop3A_223 = vector.broadcast %parallel_loop3A_222 : i32 to vector<16xi32>
        %parallel_loop3A_224 = arith.maxsi %parallel_loop3A_221, %parallel_loop3A_223 : vector<16xi32>
        %parallel_loop3A_225 = arith.constant 16 : i32
        %parallel_loop3A_226 = arith.muli %parallel_loop3A_207, %parallel_loop3A_225 : i32
        %parallel_loop3A_227 = arith.index_cast %parallel_loop3A_226 : i32 to index
        %parallel_loop3A_228 = tpu.vector_load %arg9[%parallel_loop3A_227] {strides = array<i32>} : memref<2048xi32, #tpu.memory_space<vmem>>, vector<16xi32>,
        tpu.vector_store %arg9[%parallel_loop3A_227], %parallel_loop3A_224 {strides = array<i32>} : memref<2048xi32, #tpu.memory_space<vmem>>, vector<16xi32>,
      } {sc.loop_unroll_factor = 8 : i64, sc.parallel_access}
      %dma_start3A_163 = arith.constant 0 : i32
      %dma_start3A_164 = tpu.memref_slice %arg3[%dma_start3A_163] : memref<2097152xf32, #tpu.memory_space<hbm>> -> memref<2097152xf32, #tpu.memory_space<hbm>>
      tpu.enqueue_indirect_dma source(%dma_start3A_164 : memref<2097152xf32, #tpu.memory_space<hbm>>) target(%arg11 : memref<2048xf32, #tpu.memory_space<vmem>>) offsets(%arg9 : memref<2048xi32, #tpu.memory_space<vmem>>) semaphore(%arg18 : memref<!tpu.dma_semaphore, #tpu.memory_space<semaphore_mem>>)
      %dma_wait3A_165 = arith.constant 16 : i32
      %dma_wait3A_166 = tpu.memref_slice %arg13[%dma_wait3A_165] : memref<1040xf32, #tpu.memory_space<vmem>> -> memref<1024xf32, #tpu.memory_space<vmem>>
      %dma_wait3A_167 = arith.constant 0 : i32
      %dma_wait3A_168 = tpu.memref_slice %arg5[%add3A_153, %dma_wait3A_167] : memref<4096x1024xf32, #tpu.memory_space<hbm>> -> memref<1x1024xf32, #tpu.memory_space<hbm>>
      %dma_wait3A_169 = tpu.memref_squeeze %dma_wait3A_168 : memref<1x1024xf32, #tpu.memory_space<hbm>> -> memref<1024xf32, #tpu.memory_space<hbm>>
      %dma_wait3A_170 = arith.constant 0 : i32
      %dma_wait3A_171 = tpu.memref_slice %arg5[%add3A_153, %dma_wait3A_170] : memref<4096x1024xf32, #tpu.memory_space<hbm>> -> memref<1x1024xf32, #tpu.memory_space<hbm>>
      %dma_wait3A_172 = tpu.memref_squeeze %dma_wait3A_171 : memref<1x1024xf32, #tpu.memory_space<hbm>> -> memref<1024xf32, #tpu.memory_space<hbm>>
      %dma_wait3A_173 = arith.constant 16 : i32
      %dma_wait3A_174 = tpu.memref_slice %arg13[%dma_wait3A_173] : memref<1040xf32, #tpu.memory_space<vmem>> -> memref<1024xf32, #tpu.memory_space<vmem>>
      tpu.wait_dma2 semaphore(%arg20 : memref<!tpu.dma_semaphore, #tpu.memory_space<semaphore_mem>>) src(%dma_wait3A_174 : memref<1024xf32, #tpu.memory_space<vmem>>) dst(%dma_wait3A_172 : memref<1024xf32, #tpu.memory_space<hbm>>)
      %parallel_loop3A_175 = arith.constant 0 : i32
      %parallel_loop3A_176 = arith.constant 64 : i32
      %parallel_loop3A_177 = arith.constant 1 : i32
      scf.for %parallel_loop3A_207 = %parallel_loop3A_175 to %parallel_loop3A_176 step %parallel_loop3A_177  : i32 {
        %parallel_loop3A_208 = arith.constant 16 : i32
        %parallel_loop3A_209 = arith.muli %parallel_loop3A_207, %parallel_loop3A_208 : i32
        %parallel_loop3A_210 = arith.index_cast %parallel_loop3A_209 : i32 to index
        %parallel_loop3A_211 = tpu.vector_load %arg14[%parallel_loop3A_210] {strides = array<i32>} : memref<1024xf32, #tpu.memory_space<vmem>>, vector<16xf32>,
        %parallel_loop3A_212 = arith.constant 16 : i32
        %parallel_loop3A_213 = arith.muli %parallel_loop3A_207, %parallel_loop3A_212 : i32
        %parallel_loop3A_214 = arith.constant 16 : i32
        %parallel_loop3A_215 = arith.addi %parallel_loop3A_213, %parallel_loop3A_214 : i32
        %parallel_loop3A_216 = arith.index_cast %parallel_loop3A_215 : i32 to index
        %parallel_loop3A_217 = tpu.vector_load %arg13[%parallel_loop3A_216] {strides = array<i32>} : memref<1040xf32, #tpu.memory_space<vmem>>, vector<16xf32>,
        tpu.vector_store %arg13[%parallel_loop3A_216], %parallel_loop3A_211 {strides = array<i32>} : memref<1040xf32, #tpu.memory_space<vmem>>, vector<16xf32>,
      } {sc.loop_unroll_factor = 8 : i64, sc.parallel_access}
      %dma_wait3A_178 = arith.constant 0 : i32
      %dma_wait3A_179 = tpu.memref_slice %arg3[%dma_wait3A_178] : memref<2097152xf32, #tpu.memory_space<hbm>> -> memref<2097152xf32, #tpu.memory_space<hbm>>
      tpu.wait_indirect_dma semaphore(%arg17 : memref<!tpu.dma_semaphore, #tpu.memory_space<semaphore_mem>>) src(%dma_wait3A_179 : memref<2097152xf32, #tpu.memory_space<hbm>>) dst(%arg10 : memref<2048xf32, #tpu.memory_space<vmem>>)
      %scan3A_180 = arith.constant 0 : i32
      %scan3A_181 = arith.constant 0 : i32
      %scan3A_182 = arith.constant 128 : i32
      %scan3A_183 = arith.addi %scan3A_181, %scan3A_182 : i32
      %scan3A_184 = arith.constant 8 : i32
      scf.for %scan3A_207 = %scan3A_181 to %scan3A_183 step %scan3A_184  : i32 {
        %mul3A_208 = arith.constant 16 : i32
        %mul3A_209 = arith.muli %scan3A_207, %mul3A_208 : i32
        %get3A = arith.index_cast %mul3A_209 : i32 to index
        %get3A_210 = tpu.vector_load %arg6[%get3A] {strides = array<i32>} : memref<2048xi32, #tpu.memory_space<vmem>>, vector<16xi32>,
        %mul3A_211 = arith.constant 16 : i32
        %mul3A_212 = arith.muli %scan3A_207, %mul3A_211 : i32
        %get3A_213 = arith.index_cast %mul3A_212 : i32 to index
        %get3A_214 = tpu.vector_load %arg10[%get3A_213] {strides = array<i32>} : memref<2048xf32, #tpu.memory_space<vmem>>, vector<16xf32>,
        %add3A_215 = arith.constant 15 : i32
        %add3A_216 = vector.broadcast %add3A_215 : i32 to vector<16xi32>
        %add3A_217 = arith.addi %get3A_210, %add3A_216 : vector<16xi32>
        tpu.vector_store_idx %arg12[%add3A_217], %get3A_214 {add = true} : memref<1040xf32, #tpu.memory_space<vmem>>[vector<16xi32>], vector<16xf32>,
        %scan3A_218 = arith.constant 1 : i32
        %scan3A_219 = arith.addi %scan3A_207, %scan3A_218 : i32
        %mul3A_220 = arith.constant 16 : i32
        %mul3A_221 = arith.muli %scan3A_219, %mul3A_220 : i32
        %get3A_222 = arith.index_cast %mul3A_221 : i32 to index
        %get3A_223 = tpu.vector_load %arg6[%get3A_222] {strides = array<i32>} : memref<2048xi32, #tpu.memory_space<vmem>>, vector<16xi32>,
        %mul3A_224 = arith.constant 16 : i32
        %mul3A_225 = arith.muli %scan3A_219, %mul3A_224 : i32
        %get3A_226 = arith.index_cast %mul3A_225 : i32 to index
        %get3A_227 = tpu.vector_load %arg10[%get3A_226] {strides = array<i32>} : memref<2048xf32, #tpu.memory_space<vmem>>, vector<16xf32>,
        %add3A_228 = arith.constant 15 : i32
        %add3A_229 = vector.broadcast %add3A_228 : i32 to vector<16xi32>
        %add3A_230 = arith.addi %get3A_223, %add3A_229 : vector<16xi32>
        tpu.vector_store_idx %arg12[%add3A_230], %get3A_227 {add = true} : memref<1040xf32, #tpu.memory_space<vmem>>[vector<16xi32>], vector<16xf32>,
        %scan3A_231 = arith.constant 2 : i32
        %scan3A_232 = arith.addi %scan3A_207, %scan3A_231 : i32
        %mul3A_233 = arith.constant 16 : i32
        %mul3A_234 = arith.muli %scan3A_232, %mul3A_233 : i32
        %get3A_235 = arith.index_cast %mul3A_234 : i32 to index
        %get3A_236 = tpu.vector_load %arg6[%get3A_235] {strides = array<i32>} : memref<2048xi32, #tpu.memory_space<vmem>>, vector<16xi32>,
        %mul3A_237 = arith.constant 16 : i32
        %mul3A_238 = arith.muli %scan3A_232, %mul3A_237 : i32
        %get3A_239 = arith.index_cast %mul3A_238 : i32 to index
        %get3A_240 = tpu.vector_load %arg10[%get3A_239] {strides = array<i32>} : memref<2048xf32, #tpu.memory_space<vmem>>, vector<16xf32>,
        %add3A_241 = arith.constant 15 : i32
        %add3A_242 = vector.broadcast %add3A_241 : i32 to vector<16xi32>
        %add3A_243 = arith.addi %get3A_236, %add3A_242 : vector<16xi32>
        tpu.vector_store_idx %arg12[%add3A_243], %get3A_240 {add = true} : memref<1040xf32, #tpu.memory_space<vmem>>[vector<16xi32>], vector<16xf32>,
        %scan3A_244 = arith.constant 3 : i32
        %scan3A_245 = arith.addi %scan3A_207, %scan3A_244 : i32
        %mul3A_246 = arith.constant 16 : i32
        %mul3A_247 = arith.muli %scan3A_245, %mul3A_246 : i32
        %get3A_248 = arith.index_cast %mul3A_247 : i32 to index
        %get3A_249 = tpu.vector_load %arg6[%get3A_248] {strides = array<i32>} : memref<2048xi32, #tpu.memory_space<vmem>>, vector<16xi32>,
        %mul3A_250 = arith.constant 16 : i32
        %mul3A_251 = arith.muli %scan3A_245, %mul3A_250 : i32
        %get3A_252 = arith.index_cast %mul3A_251 : i32 to index
        %get3A_253 = tpu.vector_load %arg10[%get3A_252] {strides = array<i32>} : memref<2048xf32, #tpu.memory_space<vmem>>, vector<16xf32>,
        %add3A_254 = arith.constant 15 : i32
        %add3A_255 = vector.broadcast %add3A_254 : i32 to vector<16xi32>
        %add3A_256 = arith.addi %get3A_249, %add3A_255 : vector<16xi32>
        tpu.vector_store_idx %arg12[%add3A_256], %get3A_253 {add = true} : memref<1040xf32, #tpu.memory_space<vmem>>[vector<16xi32>], vector<16xf32>,
        %scan3A_257 = arith.constant 4 : i32
        %scan3A_258 = arith.addi %scan3A_207, %scan3A_257 : i32
        %mul3A_259 = arith.constant 16 : i32
        %mul3A_260 = arith.muli %scan3A_258, %mul3A_259 : i32
        %get3A_261 = arith.index_cast %mul3A_260 : i32 to index
        %get3A_262 = tpu.vector_load %arg6[%get3A_261] {strides = array<i32>} : memref<2048xi32, #tpu.memory_space<vmem>>, vector<16xi32>,
        %mul3A_263 = arith.constant 16 : i32
        %mul3A_264 = arith.muli %scan3A_258, %mul3A_263 : i32
        %get3A_265 = arith.index_cast %mul3A_264 : i32 to index
        %get3A_266 = tpu.vector_load %arg10[%get3A_265] {strides = array<i32>} : memref<2048xf32, #tpu.memory_space<vmem>>, vector<16xf32>,
        %add3A_267 = arith.constant 15 : i32
        %add3A_268 = vector.broadcast %add3A_267 : i32 to vector<16xi32>
        %add3A_269 = arith.addi %get3A_262, %add3A_268 : vector<16xi32>
        tpu.vector_store_idx %arg12[%add3A_269], %get3A_266 {add = true} : memref<1040xf32, #tpu.memory_space<vmem>>[vector<16xi32>], vector<16xf32>,
        %scan3A_270 = arith.constant 5 : i32
        %scan3A_271 = arith.addi %scan3A_207, %scan3A_270 : i32
        %mul3A_272 = arith.constant 16 : i32
        %mul3A_273 = arith.muli %scan3A_271, %mul3A_272 : i32
        %get3A_274 = arith.index_cast %mul3A_273 : i32 to index
        %get3A_275 = tpu.vector_load %arg6[%get3A_274] {strides = array<i32>} : memref<2048xi32, #tpu.memory_space<vmem>>, vector<16xi32>,
        %mul3A_276 = arith.constant 16 : i32
        %mul3A_277 = arith.muli %scan3A_271, %mul3A_276 : i32
        %get3A_278 = arith.index_cast %mul3A_277 : i32 to index
        %get3A_279 = tpu.vector_load %arg10[%get3A_278] {strides = array<i32>} : memref<2048xf32, #tpu.memory_space<vmem>>, vector<16xf32>,
        %add3A_280 = arith.constant 15 : i32
        %add3A_281 = vector.broadcast %add3A_280 : i32 to vector<16xi32>
        %add3A_282 = arith.addi %get3A_275, %add3A_281 : vector<16xi32>
        tpu.vector_store_idx %arg12[%add3A_282], %get3A_279 {add = true} : memref<1040xf32, #tpu.memory_space<vmem>>[vector<16xi32>], vector<16xf32>,
        %scan3A_283 = arith.constant 6 : i32
        %scan3A_284 = arith.addi %scan3A_207, %scan3A_283 : i32
        %mul3A_285 = arith.constant 16 : i32
        %mul3A_286 = arith.muli %scan3A_284, %mul3A_285 : i32
        %get3A_287 = arith.index_cast %mul3A_286 : i32 to index
        %get3A_288 = tpu.vector_load %arg6[%get3A_287] {strides = array<i32>} : memref<2048xi32, #tpu.memory_space<vmem>>, vector<16xi32>,
        %mul3A_289 = arith.constant 16 : i32
        %mul3A_290 = arith.muli %scan3A_284, %mul3A_289 : i32
        %get3A_291 = arith.index_cast %mul3A_290 : i32 to index
        %get3A_292 = tpu.vector_load %arg10[%get3A_291] {strides = array<i32>} : memref<2048xf32, #tpu.memory_space<vmem>>, vector<16xf32>,
        %add3A_293 = arith.constant 15 : i32
        %add3A_294 = vector.broadcast %add3A_293 : i32 to vector<16xi32>
        %add3A_295 = arith.addi %get3A_288, %add3A_294 : vector<16xi32>
        tpu.vector_store_idx %arg12[%add3A_295], %get3A_292 {add = true} : memref<1040xf32, #tpu.memory_space<vmem>>[vector<16xi32>], vector<16xf32>,
        %scan3A_296 = arith.constant 7 : i32
        %scan3A_297 = arith.addi %scan3A_207, %scan3A_296 : i32
        %mul3A_298 = arith.constant 16 : i32
        %mul3A_299 = arith.muli %scan3A_297, %mul3A_298 : i32
        %get3A_300 = arith.index_cast %mul3A_299 : i32 to index
        %get3A_301 = tpu.vector_load %arg6[%get3A_300] {strides = array<i32>} : memref<2048xi32, #tpu.memory_space<vmem>>, vector<16xi32>,
        %mul3A_302 = arith.constant 16 : i32
        %mul3A_303 = arith.muli %scan3A_297, %mul3A_302 : i32
        %get3A_304 = arith.index_cast %mul3A_303 : i32 to index
        %get3A_305 = tpu.vector_load %arg10[%get3A_304] {strides = array<i32>} : memref<2048xf32, #tpu.memory_space<vmem>>, vector<16xf32>,
        %add3A_306 = arith.constant 15 : i32
        %add3A_307 = vector.broadcast %add3A_306 : i32 to vector<16xi32>
        %add3A_308 = arith.addi %get3A_301, %add3A_307 : vector<16xi32>
        tpu.vector_store_idx %arg12[%add3A_308], %get3A_305 {add = true} : memref<1040xf32, #tpu.memory_space<vmem>>[vector<16xi32>], vector<16xf32>,
      }
      %scan3A_185 = arith.constant 128 : i32
      %sub3A_186 = arith.constant 1 : i32
      %sub3A_187 = arith.subi %add3A_153, %sub3A_186 : i32
      %dma_start3A_188 = arith.constant 16 : i32
      %dma_start3A_189 = tpu.memref_slice %arg12[%dma_start3A_188] : memref<1040xf32, #tpu.memory_space<vmem>> -> memref<1024xf32, #tpu.memory_space<vmem>>
      %dma_start3A_190 = arith.constant 0 : i32
      %dma_start3A_191 = tpu.memref_slice %arg5[%sub3A_187, %dma_start3A_190] : memref<4096x1024xf32, #tpu.memory_space<hbm>> -> memref<1x1024xf32, #tpu.memory_space<hbm>>
      %dma_start3A_192 = tpu.memref_squeeze %dma_start3A_191 : memref<1x1024xf32, #tpu.memory_space<hbm>> -> memref<1024xf32, #tpu.memory_space<hbm>>
      %dma_start3A_193 = arith.constant 0 : i32
      %dma_start3A_194 = tpu.memref_slice %arg5[%sub3A_187, %dma_start3A_193] : memref<4096x1024xf32, #tpu.memory_space<hbm>> -> memref<1x1024xf32, #tpu.memory_space<hbm>>
      %dma_start3A_195 = tpu.memref_squeeze %dma_start3A_194 : memref<1x1024xf32, #tpu.memory_space<hbm>> -> memref<1024xf32, #tpu.memory_space<hbm>>
      %dma_start3A_196 = arith.constant 16 : i32
      %dma_start3A_197 = tpu.memref_slice %arg12[%dma_start3A_196] : memref<1040xf32, #tpu.memory_space<vmem>> -> memref<1024xf32, #tpu.memory_space<vmem>>
      tpu.enqueue_dma source(%dma_start3A_197 : memref<1024xf32, #tpu.memory_space<vmem>>) target(%dma_start3A_195 : memref<1024xf32, #tpu.memory_space<hbm>>) target_semaphore(%arg19 : memref<!tpu.dma_semaphore, #tpu.memory_space<semaphore_mem>>)
      %add3A_198 = arith.constant 1 : i32
      %add3A_199 = arith.addi %add3A_153, %add3A_198 : i32
      %min3A_200 = arith.minsi %add3A_199, %sub3A_5 : i32
      %dma_start3A_201 = arith.constant 0 : i32
      %dma_start3A_202 = tpu.memref_slice %arg2[%min3A_200, %dma_start3A_201] : memref<4096x2048xi32, #tpu.memory_space<hbm>> -> memref<1x2048xi32, #tpu.memory_space<hbm>>
      %dma_start3A_203 = tpu.memref_squeeze %dma_start3A_202 : memref<1x2048xi32, #tpu.memory_space<hbm>> -> memref<2048xi32, #tpu.memory_space<hbm>>
      %dma_start3A_204 = arith.constant 0 : i32
      %dma_start3A_205 = tpu.memref_slice %arg2[%min3A_200, %dma_start3A_204] : memref<4096x2048xi32, #tpu.memory_space<hbm>> -> memref<1x2048xi32, #tpu.memory_space<hbm>>
      %dma_start3A_206 = tpu.memref_squeeze %dma_start3A_205 : memref<1x2048xi32, #tpu.memory_space<hbm>> -> memref<2048xi32, #tpu.memory_space<hbm>>
      tpu.enqueue_dma source(%dma_start3A_206 : memref<2048xi32, #tpu.memory_space<hbm>>) target(%arg6 : memref<2048xi32, #tpu.memory_space<vmem>>) target_semaphore(%arg15 : memref<!tpu.dma_semaphore, #tpu.memory_space<semaphore_mem>>)
    }
    %scan3A_67 = arith.constant 63 : i32
    %dma_wait3A_68 = arith.constant 0 : i32
    %dma_wait3A_69 = tpu.memref_slice %arg3[%dma_wait3A_68] : memref<2097152xf32, #tpu.memory_space<hbm>> -> memref<2097152xf32, #tpu.memory_space<hbm>>
    tpu.wait_indirect_dma semaphore(%arg18 : memref<!tpu.dma_semaphore, #tpu.memory_space<semaphore_mem>>) src(%dma_wait3A_69 : memref<2097152xf32, #tpu.memory_space<hbm>>) dst(%arg11 : memref<2048xf32, #tpu.memory_space<vmem>>)
    %scan3A_70 = arith.constant 0 : i32
    %scan3A_71 = arith.constant 0 : i32
    %scan3A_72 = arith.constant 128 : i32
    %scan3A_73 = arith.addi %scan3A_71, %scan3A_72 : i32
    %scan3A_74 = arith.constant 8 : i32
    scf.for %scan3A_92 = %scan3A_71 to %scan3A_73 step %scan3A_74  : i32 {
      %mul3A_93 = arith.constant 16 : i32
      %mul3A_94 = arith.muli %scan3A_92, %mul3A_93 : i32
      %get3A = arith.index_cast %mul3A_94 : i32 to index
      %get3A_95 = tpu.vector_load %arg7[%get3A] {strides = array<i32>} : memref<2048xi32, #tpu.memory_space<vmem>>, vector<16xi32>,
      %mul3A_96 = arith.constant 16 : i32
      %mul3A_97 = arith.muli %scan3A_92, %mul3A_96 : i32
      %get3A_98 = arith.index_cast %mul3A_97 : i32 to index
      %get3A_99 = tpu.vector_load %arg11[%get3A_98] {strides = array<i32>} : memref<2048xf32, #tpu.memory_space<vmem>>, vector<16xf32>,
      %add3A_100 = arith.constant 15 : i32
      %add3A_101 = vector.broadcast %add3A_100 : i32 to vector<16xi32>
      %add3A_102 = arith.addi %get3A_95, %add3A_101 : vector<16xi32>
      tpu.vector_store_idx %arg13[%add3A_102], %get3A_99 {add = true} : memref<1040xf32, #tpu.memory_space<vmem>>[vector<16xi32>], vector<16xf32>,
      %scan3A_103 = arith.constant 1 : i32
      %scan3A_104 = arith.addi %scan3A_92, %scan3A_103 : i32
      %mul3A_105 = arith.constant 16 : i32
      %mul3A_106 = arith.muli %scan3A_104, %mul3A_105 : i32
      %get3A_107 = arith.index_cast %mul3A_106 : i32 to index
      %get3A_108 = tpu.vector_load %arg7[%get3A_107] {strides = array<i32>} : memref<2048xi32, #tpu.memory_space<vmem>>, vector<16xi32>,
      %mul3A_109 = arith.constant 16 : i32
      %mul3A_110 = arith.muli %scan3A_104, %mul3A_109 : i32
      %get3A_111 = arith.index_cast %mul3A_110 : i32 to index
      %get3A_112 = tpu.vector_load %arg11[%get3A_111] {strides = array<i32>} : memref<2048xf32, #tpu.memory_space<vmem>>, vector<16xf32>,
      %add3A_113 = arith.constant 15 : i32
      %add3A_114 = vector.broadcast %add3A_113 : i32 to vector<16xi32>
      %add3A_115 = arith.addi %get3A_108, %add3A_114 : vector<16xi32>
      tpu.vector_store_idx %arg13[%add3A_115], %get3A_112 {add = true} : memref<1040xf32, #tpu.memory_space<vmem>>[vector<16xi32>], vector<16xf32>,
      %scan3A_116 = arith.constant 2 : i32
      %scan3A_117 = arith.addi %scan3A_92, %scan3A_116 : i32
      %mul3A_118 = arith.constant 16 : i32
      %mul3A_119 = arith.muli %scan3A_117, %mul3A_118 : i32
      %get3A_120 = arith.index_cast %mul3A_119 : i32 to index
      %get3A_121 = tpu.vector_load %arg7[%get3A_120] {strides = array<i32>} : memref<2048xi32, #tpu.memory_space<vmem>>, vector<16xi32>,
      %mul3A_122 = arith.constant 16 : i32
      %mul3A_123 = arith.muli %scan3A_117, %mul3A_122 : i32
      %get3A_124 = arith.index_cast %mul3A_123 : i32 to index
      %get3A_125 = tpu.vector_load %arg11[%get3A_124] {strides = array<i32>} : memref<2048xf32, #tpu.memory_space<vmem>>, vector<16xf32>,
      %add3A_126 = arith.constant 15 : i32
      %add3A_127 = vector.broadcast %add3A_126 : i32 to vector<16xi32>
      %add3A_128 = arith.addi %get3A_121, %add3A_127 : vector<16xi32>
      tpu.vector_store_idx %arg13[%add3A_128], %get3A_125 {add = true} : memref<1040xf32, #tpu.memory_space<vmem>>[vector<16xi32>], vector<16xf32>,
      %scan3A_129 = arith.constant 3 : i32
      %scan3A_130 = arith.addi %scan3A_92, %scan3A_129 : i32
      %mul3A_131 = arith.constant 16 : i32
      %mul3A_132 = arith.muli %scan3A_130, %mul3A_131 : i32
      %get3A_133 = arith.index_cast %mul3A_132 : i32 to index
      %get3A_134 = tpu.vector_load %arg7[%get3A_133] {strides = array<i32>} : memref<2048xi32, #tpu.memory_space<vmem>>, vector<16xi32>,
      %mul3A_135 = arith.constant 16 : i32
      %mul3A_136 = arith.muli %scan3A_130, %mul3A_135 : i32
      %get3A_137 = arith.index_cast %mul3A_136 : i32 to index
      %get3A_138 = tpu.vector_load %arg11[%get3A_137] {strides = array<i32>} : memref<2048xf32, #tpu.memory_space<vmem>>, vector<16xf32>,
      %add3A_139 = arith.constant 15 : i32
      %add3A_140 = vector.broadcast %add3A_139 : i32 to vector<16xi32>
      %add3A_141 = arith.addi %get3A_134, %add3A_140 : vector<16xi32>
      tpu.vector_store_idx %arg13[%add3A_141], %get3A_138 {add = true} : memref<1040xf32, #tpu.memory_space<vmem>>[vector<16xi32>], vector<16xf32>,
      %scan3A_142 = arith.constant 4 : i32
      %scan3A_143 = arith.addi %scan3A_92, %scan3A_142 : i32
      %mul3A_144 = arith.constant 16 : i32
      %mul3A_145 = arith.muli %scan3A_143, %mul3A_144 : i32
      %get3A_146 = arith.index_cast %mul3A_145 : i32 to index
      %get3A_147 = tpu.vector_load %arg7[%get3A_146] {strides = array<i32>} : memref<2048xi32, #tpu.memory_space<vmem>>, vector<16xi32>,
      %mul3A_148 = arith.constant 16 : i32
      %mul3A_149 = arith.muli %scan3A_143, %mul3A_148 : i32
      %get3A_150 = arith.index_cast %mul3A_149 : i32 to index
      %get3A_151 = tpu.vector_load %arg11[%get3A_150] {strides = array<i32>} : memref<2048xf32, #tpu.memory_space<vmem>>, vector<16xf32>,
      %add3A_152 = arith.constant 15 : i32
      %add3A_153 = vector.broadcast %add3A_152 : i32 to vector<16xi32>
      %add3A_154 = arith.addi %get3A_147, %add3A_153 : vector<16xi32>
      tpu.vector_store_idx %arg13[%add3A_154], %get3A_151 {add = true} : memref<1040xf32, #tpu.memory_space<vmem>>[vector<16xi32>], vector<16xf32>,
      %scan3A_155 = arith.constant 5 : i32
      %scan3A_156 = arith.addi %scan3A_92, %scan3A_155 : i32
      %mul3A_157 = arith.constant 16 : i32
      %mul3A_158 = arith.muli %scan3A_156, %mul3A_157 : i32
      %get3A_159 = arith.index_cast %mul3A_158 : i32 to index
      %get3A_160 = tpu.vector_load %arg7[%get3A_159] {strides = array<i32>} : memref<2048xi32, #tpu.memory_space<vmem>>, vector<16xi32>,
      %mul3A_161 = arith.constant 16 : i32
      %mul3A_162 = arith.muli %scan3A_156, %mul3A_161 : i32
      %get3A_163 = arith.index_cast %mul3A_162 : i32 to index
      %get3A_164 = tpu.vector_load %arg11[%get3A_163] {strides = array<i32>} : memref<2048xf32, #tpu.memory_space<vmem>>, vector<16xf32>,
      %add3A_165 = arith.constant 15 : i32
      %add3A_166 = vector.broadcast %add3A_165 : i32 to vector<16xi32>
      %add3A_167 = arith.addi %get3A_160, %add3A_166 : vector<16xi32>
      tpu.vector_store_idx %arg13[%add3A_167], %get3A_164 {add = true} : memref<1040xf32, #tpu.memory_space<vmem>>[vector<16xi32>], vector<16xf32>,
      %scan3A_168 = arith.constant 6 : i32
      %scan3A_169 = arith.addi %scan3A_92, %scan3A_168 : i32
      %mul3A_170 = arith.constant 16 : i32
      %mul3A_171 = arith.muli %scan3A_169, %mul3A_170 : i32
      %get3A_172 = arith.index_cast %mul3A_171 : i32 to index
      %get3A_173 = tpu.vector_load %arg7[%get3A_172] {strides = array<i32>} : memref<2048xi32, #tpu.memory_space<vmem>>, vector<16xi32>,
      %mul3A_174 = arith.constant 16 : i32
      %mul3A_175 = arith.muli %scan3A_169, %mul3A_174 : i32
      %get3A_176 = arith.index_cast %mul3A_175 : i32 to index
      %get3A_177 = tpu.vector_load %arg11[%get3A_176] {strides = array<i32>} : memref<2048xf32, #tpu.memory_space<vmem>>, vector<16xf32>,
      %add3A_178 = arith.constant 15 : i32
      %add3A_179 = vector.broadcast %add3A_178 : i32 to vector<16xi32>
      %add3A_180 = arith.addi %get3A_173, %add3A_179 : vector<16xi32>
      tpu.vector_store_idx %arg13[%add3A_180], %get3A_177 {add = true} : memref<1040xf32, #tpu.memory_space<vmem>>[vector<16xi32>], vector<16xf32>,
      %scan3A_181 = arith.constant 7 : i32
      %scan3A_182 = arith.addi %scan3A_92, %scan3A_181 : i32
      %mul3A_183 = arith.constant 16 : i32
      %mul3A_184 = arith.muli %scan3A_182, %mul3A_183 : i32
      %get3A_185 = arith.index_cast %mul3A_184 : i32 to index
      %get3A_186 = tpu.vector_load %arg7[%get3A_185] {strides = array<i32>} : memref<2048xi32, #tpu.memory_space<vmem>>, vector<16xi32>,
      %mul3A_187 = arith.constant 16 : i32
      %mul3A_188 = arith.muli %scan3A_182, %mul3A_187 : i32
      %get3A_189 = arith.index_cast %mul3A_188 : i32 to index
      %get3A_190 = tpu.vector_load %arg11[%get3A_189] {strides = array<i32>} : memref<2048xf32, #tpu.memory_space<vmem>>, vector<16xf32>,
      %add3A_191 = arith.constant 15 : i32
      %add3A_192 = vector.broadcast %add3A_191 : i32 to vector<16xi32>
      %add3A_193 = arith.addi %get3A_186, %add3A_192 : vector<16xi32>
      tpu.vector_store_idx %arg13[%add3A_193], %get3A_190 {add = true} : memref<1040xf32, #tpu.memory_space<vmem>>[vector<16xi32>], vector<16xf32>,
    }
    %scan3A_75 = arith.constant 128 : i32
    "tpu.region"() ({
      %run_scoped3A = tpu.sem_alloc : memref<!tpu.dma_semaphore, #tpu.memory_space<semaphore_mem>>
      %dma_start3A_92 = arith.constant 16 : i32
      %dma_start3A_93 = tpu.memref_slice %arg13[%dma_start3A_92] : memref<1040xf32, #tpu.memory_space<vmem>> -> memref<1024xf32, #tpu.memory_space<vmem>>
      %dma_start3A_94 = arith.constant 0 : i32
      %dma_start3A_95 = tpu.memref_slice %arg5[%sub3A_5, %dma_start3A_94] : memref<4096x1024xf32, #tpu.memory_space<hbm>> -> memref<1x1024xf32, #tpu.memory_space<hbm>>
      %dma_start3A_96 = tpu.memref_squeeze %dma_start3A_95 : memref<1x1024xf32, #tpu.memory_space<hbm>> -> memref<1024xf32, #tpu.memory_space<hbm>>
      %dma_start3A_97 = arith.constant 0 : i32
      %dma_start3A_98 = tpu.memref_slice %arg5[%sub3A_5, %dma_start3A_97] : memref<4096x1024xf32, #tpu.memory_space<hbm>> -> memref<1x1024xf32, #tpu.memory_space<hbm>>
      %dma_start3A_99 = tpu.memref_squeeze %dma_start3A_98 : memref<1x1024xf32, #tpu.memory_space<hbm>> -> memref<1024xf32, #tpu.memory_space<hbm>>
      %dma_start3A_100 = arith.constant 16 : i32
      %dma_start3A_101 = tpu.memref_slice %arg13[%dma_start3A_100] : memref<1040xf32, #tpu.memory_space<vmem>> -> memref<1024xf32, #tpu.memory_space<vmem>>
      tpu.enqueue_dma source(%dma_start3A_101 : memref<1024xf32, #tpu.memory_space<vmem>>) target(%dma_start3A_99 : memref<1024xf32, #tpu.memory_space<hbm>>) target_semaphore(%run_scoped3A : memref<!tpu.dma_semaphore, #tpu.memory_space<semaphore_mem>>)
      %dma_wait3A_102 = arith.constant 16 : i32
      %dma_wait3A_103 = tpu.memref_slice %arg13[%dma_wait3A_102] : memref<1040xf32, #tpu.memory_space<vmem>> -> memref<1024xf32, #tpu.memory_space<vmem>>
      %dma_wait3A_104 = arith.constant 0 : i32
      %dma_wait3A_105 = tpu.memref_slice %arg5[%sub3A_5, %dma_wait3A_104] : memref<4096x1024xf32, #tpu.memory_space<hbm>> -> memref<1x1024xf32, #tpu.memory_space<hbm>>
      %dma_wait3A_106 = tpu.memref_squeeze %dma_wait3A_105 : memref<1x1024xf32, #tpu.memory_space<hbm>> -> memref<1024xf32, #tpu.memory_space<hbm>>
      %dma_wait3A_107 = arith.constant 0 : i32
      %dma_wait3A_108 = tpu.memref_slice %arg5[%sub3A_5, %dma_wait3A_107] : memref<4096x1024xf32, #tpu.memory_space<hbm>> -> memref<1x1024xf32, #tpu.memory_space<hbm>>
      %dma_wait3A_109 = tpu.memref_squeeze %dma_wait3A_108 : memref<1x1024xf32, #tpu.memory_space<hbm>> -> memref<1024xf32, #tpu.memory_space<hbm>>
      %dma_wait3A_110 = arith.constant 16 : i32
      %dma_wait3A_111 = tpu.memref_slice %arg13[%dma_wait3A_110] : memref<1040xf32, #tpu.memory_space<vmem>> -> memref<1024xf32, #tpu.memory_space<vmem>>
      tpu.wait_dma2 semaphore(%run_scoped3A : memref<!tpu.dma_semaphore, #tpu.memory_space<semaphore_mem>>) src(%dma_wait3A_111 : memref<1024xf32, #tpu.memory_space<vmem>>) dst(%dma_wait3A_109 : memref<1024xf32, #tpu.memory_space<hbm>>)
      tpu.yield
    }) : () -> ()
    %dma_wait3A_76 = arith.constant 16 : i32
    %dma_wait3A_77 = tpu.memref_slice %arg12[%dma_wait3A_76] : memref<1040xf32, #tpu.memory_space<vmem>> -> memref<1024xf32, #tpu.memory_space<vmem>>
    %dma_wait3A_78 = arith.constant 0 : i32
    %dma_wait3A_79 = tpu.memref_slice %arg5[%sub3A_5, %dma_wait3A_78] : memref<4096x1024xf32, #tpu.memory_space<hbm>> -> memref<1x1024xf32, #tpu.memory_space<hbm>>
    %dma_wait3A_80 = tpu.memref_squeeze %dma_wait3A_79 : memref<1x1024xf32, #tpu.memory_space<hbm>> -> memref<1024xf32, #tpu.memory_space<hbm>>
    %dma_wait3A_81 = arith.constant 0 : i32
    %dma_wait3A_82 = tpu.memref_slice %arg5[%sub3A_5, %dma_wait3A_81] : memref<4096x1024xf32, #tpu.memory_space<hbm>> -> memref<1x1024xf32, #tpu.memory_space<hbm>>
    %dma_wait3A_83 = tpu.memref_squeeze %dma_wait3A_82 : memref<1x1024xf32, #tpu.memory_space<hbm>> -> memref<1024xf32, #tpu.memory_space<hbm>>
    %dma_wait3A_84 = arith.constant 16 : i32
    %dma_wait3A_85 = tpu.memref_slice %arg12[%dma_wait3A_84] : memref<1040xf32, #tpu.memory_space<vmem>> -> memref<1024xf32, #tpu.memory_space<vmem>>
    tpu.wait_dma2 semaphore(%arg19 : memref<!tpu.dma_semaphore, #tpu.memory_space<semaphore_mem>>) src(%dma_wait3A_85 : memref<1024xf32, #tpu.memory_space<vmem>>) dst(%dma_wait3A_83 : memref<1024xf32, #tpu.memory_space<hbm>>)
    %dma_wait3A_86 = arith.constant 0 : i32
    %dma_wait3A_87 = tpu.memref_slice %arg2[%sub3A_5, %dma_wait3A_86] : memref<4096x2048xi32, #tpu.memory_space<hbm>> -> memref<1x2048xi32, #tpu.memory_space<hbm>>
    %dma_wait3A_88 = tpu.memref_squeeze %dma_wait3A_87 : memref<1x2048xi32, #tpu.memory_space<hbm>> -> memref<2048xi32, #tpu.memory_space<hbm>>
    %dma_wait3A_89 = arith.constant 0 : i32
    %dma_wait3A_90 = tpu.memref_slice %arg2[%sub3A_5, %dma_wait3A_89] : memref<4096x2048xi32, #tpu.memory_space<hbm>> -> memref<1x2048xi32, #tpu.memory_space<hbm>>
    %dma_wait3A_91 = tpu.memref_squeeze %dma_wait3A_90 : memref<1x2048xi32, #tpu.memory_space<hbm>> -> memref<2048xi32, #tpu.memory_space<hbm>>
    tpu.wait_dma2 semaphore(%arg15 : memref<!tpu.dma_semaphore, #tpu.memory_space<semaphore_mem>>) src(%dma_wait3A_91 : memref<2048xi32, #tpu.memory_space<hbm>>) dst(%arg6 : memref<2048xi32, #tpu.memory_space<vmem>>)
    return
  }
}

</mosaic_0001>

<sc_bundles>
// kernel: kernel.3.cloned.1.call-start
scs
__scs_entry_jumppad:
0x0: {  	(pc) =	sbr.rel $0x88, $3  }
0x1: {  	(tag) =	ssettag $0x0;
	lr =	simm.s32 $0x1  }
0x2: {  	[smem:$0x3F9E] =	sst lr;
	_ =	strace $0xD0000000  }
0x3: {  	_ = 	snop  }
0x4: {  	_ = 	snop  }
0x5: {  	_ = 	snop  }
0x6: {  	_ = 	snop  }
0x7: {  	_ = 	snop  }
__scs_overlays_trampoline_lowered:
0x8: {  	[smem:$0x3FAD] =	sst s0  }
0x9: {  	[smem:$0x3FAE] =	sst s1  }
0xa: {  	[smem:$0x3FAF] =	sst s2  }
0xb: {  	[smem:$0x3FB0] =	sst s3  }
0xc: {  	[smem:$0x3FB1] =	sst s4  }
0xd: {  	[smem:$0x3FB2] =	sst s5  }
0xe: {  	[smem:$0x3FB3] =	sst s6  }
0xf: {  	[smem:$0x3FB4] =	sst s7  }
0x10: {  	[smem:$0x3FB5] =	sst s8  }
0x11: {  	[smem:$0x3FB6] =	sst s9;
	s0 =	simm.s32 @!p0 $0x0  }
0x12: {  	s1 =	sld [smem:$0x3F9C];
	s0 =	simm.s32 @p0 $0x1  }
0x13: {  	[smem:$0x3FB7] =	sst s0;
	s0 =	simm.s32 @!p1 $0x0  }
0x14: {  	s2 =	sld [smem:$0x3F9B];
	s0 =	simm.s32 @p1 $0x1  }
0x15: {  	[smem:$0x3FB8] =	sst s0;
	s0 =	simm.s32 @!p2 $0x0  }
0x16: {  	s3 =	sld [smem:$0x3FDB];
	s0 =	simm.s32 @p2 $0x1  }
0x17: {  	s4 =	simm.s32 $0x1BF5;
	[smem:$0x3FBA] =	sst s0  }
0x18: {  	s0 =	sld [smem:$0x3F9D];
	_ =	swait.ge [sflag:s4], $0x0  }
0x19: {  	s7 =	sld [smem:$0x3F9E]  }
0x1a: {  	s8 =	sadd.s32 $0xFFFFE003, lr  }
0x1b: {  	s9 =	sadd.s32 $0xFFFFFEF7, lr;
	s5 =	simm.s32 $0xFFFFFFFF;
	p2 =	slt.u32 s8, $0xFFFFF086  }
0x1c: {  	p1 =	slt.u32 s9, $0xF7A;
	s5 =	simm.s32 @!p2 $0x0  }
0x1d: {  	s5 =	simm.s32 @p1 $0x1;
	p0 =	seq.s32 s7, s2  }
0x1e: {  	s7 =	smul.u32 @!p0 $0xF7A, s2;
	p2 =	seq.s32 @!p0 s5, $0x0  }
0x1f: {  	s9 =	smul.u32 $0xF7A, s1;
	s8 =	simm.s32 @!p0 $0x1BF5;
	p2 =	por !p2, p0  }
0x20: {  	[sflag:s8] =	ssyncset.s32 @!p0 $0xFFFFF086;
	s6 =	sadd.s32 @!p0 s3, s7;
	s7 =	simm.s32 @!p0 $0x108  }
0x21: {  	s3 =	sadd.s32 s3, s9;
	s6 =	sadd.s32 @!p0 $0x88, s6;
	s7 =	simm.s32 @p2 $0x1082  }
0x22: {  	[simem:s7], [sflag:s8] =	dma.local @!p0 [hbm:s6], $0xF7A  }
0x23: {  	s9 =	sor.u32 $0xD0000000, s2;
	s6 =	simm.s32 $0x108;
	_ =	swait.ge @!p0 [sflag:s8], $0x0  }
0x24: {  	s3 =	sadd.s32 $0x88, s3;
	s6 =	simm.s32 @!p1 $0x1082;
	[sflag:s4] =	ssyncset.s32 $0xFFFFF086  }
0x25: {  	[simem:s6], [sflag:s4] =	dma.local [hbm:s3], $0xF7A  }
0x26: {  	[smem:$0x3F9E] =	sst s1;
	(tag) =	ssettag s2;
	_ =	strace s9  }
0x27: {  	s1 =	sld [smem:$0x3FAE]  }
0x28: {  	s2 =	sld [smem:$0x3FAF]  }
0x29: {  	s4 =	sld [smem:$0x3FB1]  }
0x2a: {  	p0 =	seq.s32 s5, $0x0;
	s5 =	sld [smem:$0x3FB2]  }
0x2b: {  	s6 =	sld [smem:$0x3FB3]  }
0x2c: {  	s7 =	sld [smem:$0x3FB4]  }
0x2d: {  	s3 =	simm.s32 $0x108;
	s8 =	sld [smem:$0x3FB5]  }
0x2e: {  	s3 =	simm.s32 @!p0 $0x1082;
	s9 =	sld [smem:$0x3FB6]  }
0x2f: {  	lr =	sadd.s32 s0, s3;
	s0 =	sld [smem:$0x3FAD]  }
0x30: {  	s3 =	sld [smem:$0x3FB0]  }
0x31: {  	[smem:$0x3FB9] =	sst s10  }
0x32: {  	s10 =	sld [smem:$0x3FB7];
	_ =	sdelay $0x3  }
0x33: {  	p0 =	seq.s32 s10, $0x1;
	s10 =	sld [smem:$0x3FB9];
	_ =	sdelay $0x3  }
0x34: {  	[smem:$0x3FB9] =	sst s10  }
0x35: {  	s10 =	sld [smem:$0x3FB8];
	_ =	sdelay $0x3  }
0x36: {  	p1 =	seq.s32 s10, $0x1;
	s10 =	sld [smem:$0x3FB9];
	_ =	sdelay $0x3  }
0x37: {  	[smem:$0x3FB9] =	sst s10  }
0x38: {  	s10 =	sld [smem:$0x3FBA]  }
0x39: {  	_ = 	snop;
	(pc) =	sbr.ind lr, $3  }
0x3a: {  	_ = 	snop  }
0x3b: {  	_ = 	snop  }
0x3c: {  	p2 =	seq.s32 s10, $0x1;
	s10 =	sld [smem:$0x3FB9]  }
0x3d: {  	_ =	shalt  }
0x3e: {  	_ =	shalt  }
0x3f: {  	_ =	shalt  }
0x40: {  	_ =	shalt  }
0x41: {  	_ =	shalt  }
0x42: {  	_ =	shalt  }
0x43: {  	_ =	shalt  }
0x44: {  	_ =	shalt  }
0x45: {  	_ =	shalt  }
0x46: {  	_ =	shalt  }
0x47: {  	_ =	shalt  }
0x48: {  	_ =	shalt  }
0x49: {  	_ =	shalt  }
0x4a: {  	_ =	shalt  }
0x4b: {  	_ =	shalt  }
0x4c: {  	_ =	shalt  }
0x4d: {  	_ =	shalt  }
0x4e: {  	_ =	shalt  }
0x4f: {  	_ =	shalt  }
0x50: {  	_ =	shalt  }
0x51: {  	_ =	shalt  }
0x52: {  	_ =	shalt  }
0x53: {  	_ =	shalt  }
0x54: {  	_ =	shalt  }
0x55: {  	_ =	shalt  }
0x56: {  	_ =	shalt  }
0x57: {  	_ =	shalt  }
0x58: {  	_ =	shalt  }
0x59: {  	_ =	shalt  }
0x5a: {  	_ =	shalt  }
0x5b: {  	_ =	shalt  }
0x5c: {  	_ =	shalt  }
0x5d: {  	_ =	shalt  }
0x5e: {  	_ =	shalt  }
0x5f: {  	_ =	shalt  }
0x60: {  	_ =	shalt  }
0x61: {  	_ =	shalt  }
0x62: {  	_ =	shalt  }
0x63: {  	_ =	shalt  }
0x64: {  	_ =	shalt  }
0x65: {  	_ =	shalt  }
0x66: {  	_ =	shalt  }
0x67: {  	_ =	shalt  }
0x68: {  	_ =	shalt  }
0x69: {  	_ =	shalt  }
0x6a: {  	_ =	shalt  }
0x6b: {  	_ =	shalt  }
0x6c: {  	_ =	shalt  }
0x6d: {  	_ =	shalt  }
0x6e: {  	_ =	shalt  }
0x6f: {  	_ =	shalt  }
0x70: {  	_ =	shalt  }
0x71: {  	_ =	shalt  }
0x72: {  	_ =	shalt  }
0x73: {  	_ =	shalt  }
0x74: {  	_ =	shalt  }
0x75: {  	_ =	shalt  }
0x76: {  	_ =	shalt  }
0x77: {  	_ =	shalt  }
0x78: {  	_ =	shalt  }
0x79: {  	_ =	shalt  }
0x7a: {  	_ =	shalt  }
0x7b: {  	_ =	shalt  }
0x7c: {  	_ =	shalt  }
0x7d: {  	_ =	shalt  }
0x7e: {  	_ =	shalt  }
0x7f: {  	_ =	shalt  }
0x80: {  	_ =	shalt  }
0x81: {  	_ =	shalt  }
0x82: {  	_ =	shalt  }
0x83: {  	_ =	shalt  }
0x84: {  	_ =	shalt  }
0x85: {  	_ =	shalt  }
0x86: {  	_ =	shalt  }
0x87: {  	_ =	shalt  }
.Lfunc_end0:
.L_simem_size_0:
called_computation.1_lowered:
.L_overlay_start_0:
0x88: {  	s2 =	sld [smem:$0x3FD9]  }
0x89: {  	s3 =	sld [smem:$0x3FFE];
	_ =	sdelay $0x1  }
0x8a: {  	s1 =	srdreg.scid  }
0x8b: {  	s0 =	sand.u32 $0x1, s1  }
0x8c: {  	s17 =	sshll.u32 s0, $0xA;
	s2 =	sadd.s32 s3, s2  }
0x8d: {  	s2 =	sadd.s32 s2, s17  }
0x8e: {  	[smem:$0x3FC5] =	sst s2  }
0x8f: {  	_ = 	snop  }
0x90: {  	s2 =	sld [smem:$0x3FC7]  }
0x91: {  	s18 =	sld [smem:$0x3FD0];
	(tm) =	ssettm $0x1  }
0x92: {  	s4 =	sld [smem:$0x3FFB];
	_ =	sdelay $0x3  }
0x93: {  	_ =	strace s4  }
0x94: {  	s4 =	sld [smem:$0x3FFC];
	_ =	sdelay $0x3  }
0x95: {  	_ =	strace s4  }
0x96: {  	s4 =	sld [smem:$0x3FFD];
	_ =	sdelay $0x3  }
0x97: {  	_ =	strace s4  }
0x98: {  	_ =	strace $0x8FFFFFFF  }
0x99: {  	s19 =	sld [smem:$0x3FDB];
	_ =	sdelay $0x1  }
0x9a: {  	s5 =	simm.s32 $_scs_section_size  }
0x9b: {  	s6 =	simm.s32 $_size__tile_overlayer_lowered;
	s7 =	simm.s32 $_tile_overlayer_lowered  }
0x9c: {  	s22 =	simm.s32 $0x1BFF;
	s21 =	sshll.u32 s7, $0x1;
	s4 =	sadd.s32 s5, s19  }
0x9d: {  	s8 =	simm.s32 $0x0;
	s20 =	sshll.u32 s6, $0x1;
	s6 =	sadd.s32 s21, s4  }
0x9e: {  	[timem:s8], [sflag:s22] =	dma.local [hbm:s6], s20  }
0x9f: {  	_ =	swait.ge [sflag:s22], s20  }
0xa0: {  	s5 =	ssub.s32 $0x0, s20;
	[sflag:s22] =	ssyncset.done $0x0  }
0xa1: {  	[sflag:s22] =	ssyncadd.s32 s5;
	_ =	sdelay $0x1  }
0xa2: {  	s23 =	simm.s32 $0x1B8B  }
0xa3: {  	_ =	swait.ge [sflag:s23], $0x1  }
0xa4: {  	[sflag:s23] =	ssyncset.done $0x0  }
0xa5: {  	s25 =	simm.s32 $0x1B8E;
	s24 =	sld [smem:$0x3FFE];
	[sflag:s23] =	ssyncadd.s32 $0xFFFFFFFF  }
0xa6: {  	s26 =	simm.s32 $execute0_lowered;
	[smem:$0x3FD2] =	sst s25  }
0xa7: {  	s6 =	sshll.u32 s26, $0x1;
	_ =	strace $0x80000049;
	[dreg:$0x1] =	wrdreg $0xFFFFFFFF  }
0xa8: {  	s28 =	simm.s32 $_size_execute0_lowered;
	s4 =	sadd.s32 s4, s6;
	[dreg:$0x0] =	wrdreg $0x0  }
0xa9: {  	s6 =	sshll.u32 s28, $0x1;
	[dreg:$0x2] =	wrdreg s4  }
0xaa: {  	[dreg:$0x3] =	wrdreg s6  }
0xab: {  	[dreg:$0x4] =	wrdreg $0xC0  }
0xac: {  	_ =	task [dreg:s8], $0x5FFFF  }
0xad: {  	[dreg:$0x1] =	wrdreg $0xFFFFFFFF  }
0xae: {  	[dreg:$0x0] =	wrdreg $0x60  }
0xaf: {  	[dreg:$0x2] =	wrdreg s24  }
0xb0: {  	[dreg:$0x3] =	wrdreg s18  }
0xb1: {  	[dreg:$0x4] =	wrdreg s2  }
0xb2: {  	[dreg:$0x5] =	wrdreg $0x9  }
0xb3: {  	_ =	task.clear_ibuf [dreg:s8], $0x6FFFF;
	_ =	strace $0x90000049  }
0xb4: {  	s29 =	simm.s32 $0x9;
	_ =	strace $0x8000004B  }
0xb5: {  	_ =	swait.ge [sflag:s29], $0x1  }
0xb6: {  	[sflag:s29] =	ssyncadd.s32 $0xFFFFFFFF  }
0xb7: {  	_ =	strace $0x9000004B  }
0xb8: {  	_ =	sfence  }
0xb9: {  	s30 =	sld [smem:$0x0];
	_ =	sdelay $0x2  }
0xba: {  	s31 =	sshll.u32 s1, $0xD;
	s1 =	sshrl.u32 s1, $0x2  }
0xbb: {  	s3 =	sand.u32 $0x4000, s31;
	s1 =	sadd.s32 s1, s30  }
0xbc: {  	s0 =	sor.u32 s3, s0;
	s1 =	sshll.u32 s1, $0x11  }
0xbd: {  	s0 =	sor.u32 s1, s0  }
0xbe: {  	s0 =	sadd.s32 $0x8F2B, s0  }
0xbf: {  	[sflag:s0] =	ssyncadd.remote.s32 $0x1  }
0xc0: {  	_ =	sfence.sel $0xFFFF  }
0xc1: {  	[dreg:$0x0] =	wrdreg $0xFFFFFFFF;
	(pc) =	sbr.abs _section_cstart, $3  }
0xc2: {  	[dreg:$0x1] =	wrdreg $0xFFFFFFFF  }
0xc3: {  	_ =	task.clear_ibuf [dreg:s8], $0x2FFFF;
	_ =	strace $0x9FFFFFFF  }
0xc4: {  	(tm) =	ssettm $0x7FFFFFFF  }
0xc5: {  	_ =	shalt  }
tec
execute0_lowered:
.L_overlay_start_1:
0x0: {  	(tag) =	ssettag $0x1  }
0x1: {  	s0 =	rddreg [dreg:$0x0]  }
0x2: {  	s1 =	rddreg [dreg:$0x1];
	s4 =	simm.s32 $0x0;
	s2 =	srdreg.scid  }
0x3: {  	s5 =	stileid.u32;
	s17 =	simm.s32 $0x800;
	s20 =	simm.s32 $0x2  }
0x4: {  	s22 =	simm.s32 $0x2800;
	s28 =	simm.s32 $0x5;
	s29 =	simm.s32 $0x4  }
0x5: {  	s30 =	simm.s32 $0x3410;
	s31 =	simm.s32 $0x3420;
	[smem:$0x7FF] =	sst s4  }
0x6: {  	s2 =	sand.u32 $0x1, s2;
	s6 =	sshll.u32 s5, $0x8;
	s5 =	sadd.s32 $0xA00, s0  }
0x7: {  	s7 =	sadd.s32 $0x100A00, s0;
	s3 =	ssub.s32 $0x2, s2;
	s2 =	sshll.u32 s2, $0x7  }
0x8: {  	_ =	strace $0x8000004A;
	s8 =	sshrl.u32 s3, $0x1;
	s6 =	sor.u32 s2, s6  }
0x9: {  	s23 =	ssub.s32 s3, s8;
	s2 =	sshll.u32 s6, $0x8;
	s25 =	sshll.u32 s6, $0x7  }
0xa: {  	s8 =	sor.u32 $0x7F, s6;
	s24 =	sadd.s32 s5, s2;
	s2 =	sadd.s32 s7, s25  }
0xb: {  	s26 =	sshll.u32 s8, $0x7;
	s0 =	smax.u32 s23, $0x1;
	[dreg:$0x6] =	wrdreg s2  }
0xc: {  	s23 =	simm.s32 $0x3;
	s25 =	simm.s32 $0x3010;
	[dreg:$0x4] =	wrdreg s24  }
0xd: {  	s9 =	sadd.s32 $0x100, s24;
	s3 =	sadd.s32 $0x200, s24;
	[dreg:$0x9] =	wrdreg s0  }
0xe: {  	s2 =	sadd.s32 s7, s26;
	s24 =	simm.s32 $0x3000;
	[dreg:$0x5] =	wrdreg s9  }
0xf: {  	s26 =	simm.s32 $0x1;
	s0 =	simm.s32 $0x6;
	[dreg:$0x7] =	wrdreg s3  }
0x10: {  	v0 =	vlaneseq.u32;
	[dreg:$0x8] =	wrdreg s2;
	s9 =	simm.s32 $0x7;
	s3 =	simm.s32 $0x0  }
.LBB2_1:
0x11: {  	[dreg:$0xa] =	wrdreg s3  }
0x12: {  	s2 =	rddreg [dreg:$0x2];
	s12 =	simm.s32 $0x3820  }
0x13: {  	[tilespmem:s12], [sflag:$0x7] =	stream.linear.gather [hbm4b:s2+s4], $0x400, $0x38;
	[tilespmem:$0x3C20] =	vst v63  }
0x14: {  	_ =	swait.ge [sflag:s9], $0x400  }
0x15: {  	[sflag:s9] =	ssyncset.done $0x0  }
0x16: {  	s13 =	rddreg [dreg:$0x4];
	[sflag:s9] =	ssyncadd.s32 $0xFFFFFC00  }
0x17: {  	[tilespmem:s4], [sflag:$0x7] =	stream.linear.gather [hbm4b:s13+s4], $0x800, $0x38;
	[tilespmem:$0x3C20] =	vst v63  }
0x18: {  	_ =	swait.ge [sflag:s9], $0x800  }
0x19: {  	[sflag:s9] =	ssyncset.done $0x0  }
0x1a: {  	s14 =	simm.s32 $0x40;
	[sflag:s9] =	ssyncadd.s32 $0xFFFFF800  }
0x1b: {  	v1 =	vld [tilespmem:s14+$0x30]  }
0x1c: {  	v2 =	vld [tilespmem:s14+$0xFFFFFFD0]  }
0x1d: {  	v3 =	vld [tilespmem:s14+$0xFFFFFFE0]  }
0x1e: {  	v4 =	vld [tilespmem:s14+$0xFFFFFFF0]  }
0x1f: {  	v5 =	vld [tilespmem:s14+$0x0]  }
0x20: {  	v6 =	vld [tilespmem:s14+$0x10];
	_ =	sdelay $0x1  }
0x21: {  	v7 =	vld [tilespmem:s14+$0x20]  }
0x22: {  	v8 =	vld [tilespmem:s14+$0xFFFFFFC0]  }
0x23: {  	v1 =	vshll.u32 v1, $0xB;
	v2 =	vshll.u32 v2, $0xB;
	v3 =	vshll.u32 v3, $0xB  }
0x24: {  	s10 =	simm.s32 $0xFFFFF870;
	s11 =	simm.s32 $0xFFFFF810;
	s15 =	simm.s32 $0xFFFFF820;
	v4 =	vshll.u32 v4, $0xB;
	v5 =	vshll.u32 v5, $0xB;
	v6 =	vshll.u32 v6, $0xB  }
0x25: {  	s16 =	simm.s32 $0xFFFFF830;
	s18 =	simm.s32 $0xFFFFF840;
	s19 =	simm.s32 $0xFFFFF850;
	v1 =	vadd.s32 s10, v1;
	v2 =	vadd.s32 s11, v2;
	v3 =	vadd.s32 s15, v3  }
0x26: {  	v4 =	vadd.s32 s16, v4;
	v5 =	vadd.s32 s18, v5;
	v10 =	vadd.s32 s19, v6  }
0x27: {  	s21 =	simm.s32 $0xFFFFF860;
	v6 =	vshll.u32 v7, $0xB;
	s11 =	simm.s32 $0xFFFFF800;
	v7 =	vshll.u32 v8, $0xB;
	v1 =	vadd.s32 v0, v1  }
0x28: {  	v6 =	vadd.s32 s21, v6;
	v7 =	vadd.s32 s11, v7;
	vm0 =	vgt.s32 v1, $0x0  }
0x29: {  	s2 =	simm.s32 $0x1040;
	v5 =	vadd.s32 v0, v5;
	v9 =	vnsel vm0, $0x0, v1;
	v1 =	vadd.s32 v0, v2  }
0x2a: {  	s12 =	simm.s32 $0x0;
	s13 =	simm.s32 $0xC0;
	s10 =	simm.s32 $0x1040;
	v2 =	vadd.s32 v0, v3;
	v3 =	vadd.s32 v0, v4;
	v4 =	vadd.s32 v0, v10;
	[tilespmem:s2+$0x30] =	vst v9  }
.LBB2_2:
0x2b: {  	v8 =	vld [tilespmem:s13+$0x30];
	s12 =	sadd.s32 $0x8, s12;
	v7 =	vadd.s32 v0, v7;
	vm0 =	vgt.s32 v1, $0x0;
	v6 =	vadd.s32 v0, v6  }
0x2c: {  	vm2 =	vgt.s32 v2, $0x0;
	vm3 =	vgt.s32 v3, $0x0;
	v9 =	vld [tilespmem:s13+$0xFFFFFFD0];
	p0 =	slt.u32 s12, $0x78;
	vm1 =	vgt.s32 v7, $0x0  }
0x2d: {  	vm4 =	vgt.s32 v5, $0x0;
	vm5 =	vgt.s32 v4, $0x0;
	vm6 =	vgt.s32 v6, $0x0;
	v10 =	vld [tilespmem:s13+$0xFFFFFFE0]  }
0x2e: {  	v1 =	vnsel vm0, $0x0, v1;
	v2 =	vnsel vm2, $0x0, v2;
	v7 =	vnsel vm1, $0x0, v7;
	v11 =	vld [tilespmem:s13+$0xFFFFFFF0]  }
0x2f: {  	s11 =	sadd.s32 $0x80, s11;
	v3 =	vnsel vm3, $0x0, v3;
	v5 =	vnsel vm4, $0x0, v5;
	v4 =	vnsel vm5, $0x0, v4;
	v12 =	vld [tilespmem:s13+$0x0];
	[tilespmem:s2+$0xFFFFFFC0] =	vst v7  }
0x30: {  	s14 =	sadd.s32 $0x10, s11;
	s15 =	sadd.s32 $0x20, s11;
	s9 =	sadd.s32 $0x70, s11;
	v6 =	vnsel vm6, $0x0, v6;
	v7 =	vld [tilespmem:s13+$0x10];
	v8 =	vshll.u32 v8, $0xB;
	[tilespmem:s2+$0xFFFFFFD0] =	vst v1  }
0x31: {  	s16 =	sadd.s32 $0x30, s11;
	s3 =	sadd.s32 $0x40, s11;
	s18 =	sadd.s32 $0x50, s11;
	v1 =	vshll.u32 v9, $0xB;
	v9 =	vld [tilespmem:s13+$0x20];
	v8 =	vadd.s32 s9, v8;
	[tilespmem:s2+$0xFFFFFFE0] =	vst v2  }
0x32: {  	s9 =	sadd.s32 $0x60, s11;
	v13 =	vld [tilespmem:s13+$0xFFFFFFC0];
	v1 =	vadd.s32 s14, v1;
	v2 =	vshll.u32 v10, $0xB;
	v8 =	vadd.s32 v0, v8;
	[tilespmem:s2+$0xFFFFFFF0] =	vst v3  }
0x33: {  	v2 =	vadd.s32 s15, v2;
	v3 =	vshll.u32 v11, $0xB;
	vm0 =	vgt.s32 v8, $0x0;
	[tilespmem:s2+$0x0] =	vst v5  }
.Ltmp0:
0x34: {  	s2 =	sadd.s32 $0x80, s2;
	v3 =	vadd.s32 s16, v3;
	v5 =	vshll.u32 v12, $0xB;
	v8 =	vnsel vm0, $0x0, v8;
	[tilespmem:s10+$0x10] =	vst v4;
	(pc) =	sbr.rel @p0 .LBB2_2-.Ltmp0, $4  }
0x35: {  	v1 =	vadd.s32 v0, v1;
	v4 =	vadd.s32 s3, v5;
	v5 =	vshll.u32 v7, $0xB;
	[tilespmem:s2+$0x30] =	vst v8  }
0x36: {  	v2 =	vadd.s32 v0, v2;
	v8 =	vadd.s32 s18, v5;
	v5 =	vshll.u32 v9, $0xB;
	[tilespmem:s10+$0x20] =	vst v6;
	s10 =	smov.u32 s2  }
0x37: {  	v3 =	vadd.s32 v0, v3;
	v7 =	vshll.u32 v13, $0xB;
	v6 =	vadd.s32 s9, v5  }
0x38: {  	s13 =	sadd.s32 $0x80, s13;
	v5 =	vadd.s32 v0, v4;
	v4 =	vadd.s32 v0, v8;
	v7 =	vadd.s32 s11, v7  }
0x39: {  	vm1 =	vgt.s32 v1, $0x0  }
0x3a: {  	v7 =	vadd.s32 v0, v7;
	vm11 =	vgt.s32 v2, $0x0;
	v1 =	vnsel vm1, $0x0, v1  }
0x3b: {  	vm0 =	vgt.s32 v7, $0x0;
	v2 =	vnsel vm11, $0x0, v2;
	[tilespmem:s2+$0xFFFFFFD0] =	vst v1  }
0x3c: {  	vm12 =	vgt.s32 v3, $0x0;
	v7 =	vnsel vm0, $0x0, v7;
	[tilespmem:s2+$0xFFFFFFE0] =	vst v2  }
0x3d: {  	vm13 =	vgt.s32 v5, $0x0;
	v1 =	vnsel vm12, $0x0, v3;
	[tilespmem:s2+$0xFFFFFFC0] =	vst v7  }
0x3e: {  	vm14 =	vgt.s32 v4, $0x0;
	v2 =	vadd.s32 v0, v6;
	v3 =	vnsel vm13, $0x0, v5;
	[tilespmem:s2+$0xFFFFFFF0] =	vst v1  }
0x3f: {  	vm15 =	vgt.s32 v2, $0x0;
	v1 =	vnsel vm14, $0x0, v4;
	[tilespmem:s2+$0x0] =	vst v3  }
0x40: {  	v2 =	vnsel vm15, $0x0, v2;
	[tilespmem:s10+$0x10] =	vst v1  }
0x41: {  	s18 =	simm.s32 $0x1000;
	s3 =	simm.s32 $0x2000;
	[tilespmem:s10+$0x20] =	vst v2  }
0x42: {  	[tilespmem:s3], [sflag:$0x3] =	stream.indirect.gather [hbm4b:s1+s17], $0x1, s18, s17, $0xb8;
	[tilespmem:$0x3C20] =	vst v63  }
0x43: {  	s21 =	simm.s32 $0x3860;
	s19 =	rddreg [dreg:$0x5]  }
0x44: {  	[tilespmem:s17], [sflag:$0x2] =	stream.linear.gather [hbm4b:s19+s4], $0x800, $0x38;
	[tilespmem:$0x3C20] =	vst v63  }
0x45: {  	v4 =	vld [tilespmem:s21+$0x30]  }
0x46: {  	v5 =	vld [tilespmem:s21+$0xFFFFFFD0]  }
0x47: {  	v6 =	vld [tilespmem:s21+$0xFFFFFFE0]  }
0x48: {  	v1 =	vld [tilespmem:s21+$0xFFFFFFF0]  }
0x49: {  	s2 =	simm.s32 $0x3040;
	v2 =	vld [tilespmem:s21+$0x0]  }
0x4a: {  	v3 =	vld [tilespmem:s21+$0x10];
	[tilespmem:s2+$0x40] =	vst v4  }
0x4b: {  	[tilespmem:s2+$0xFFFFFFE0] =	vst v5;
	v4 =	vld [tilespmem:s21+$0x20]  }
0x4c: {  	s11 =	simm.s32 $0x38E0;
	s10 =	simm.s32 $0x0;
	v5 =	vld [tilespmem:s21+$0xFFFFFFC0];
	[tilespmem:s2+$0xFFFFFFF0] =	vst v6  }
.LBB2_4:
0x4d: {  	v6 =	vld [tilespmem:s11+$0x30];
	s10 =	sadd.s32 $0x8, s10;
	[tilespmem:s2+$0x0] =	vst v1  }
0x4e: {  	v7 =	vld [tilespmem:s11+$0xFFFFFFD0];
	p0 =	slt.u32 s10, $0x38;
	[tilespmem:s2+$0x10] =	vst v2  }
0x4f: {  	v8 =	vld [tilespmem:s11+$0xFFFFFFE0];
	[tilespmem:s2+$0x20] =	vst v3  }
.Ltmp1:
0x50: {  	v1 =	vld [tilespmem:s11+$0xFFFFFFF0];
	[tilespmem:s2+$0x30] =	vst v4;
	(pc) =	sbr.rel @p0 .LBB2_4-.Ltmp1, $4  }
0x51: {  	v2 =	vld [tilespmem:s11+$0x0];
	[tilespmem:s2+$0xFFFFFFD0] =	vst v5;
	s2 =	sadd.s32 $0x80, s2  }
0x52: {  	v3 =	vld [tilespmem:s11+$0x10];
	[tilespmem:s2+$0x40] =	vst v6  }
0x53: {  	[tilespmem:s2+$0xFFFFFFE0] =	vst v7;
	v4 =	vld [tilespmem:s11+$0x20]  }
0x54: {  	v5 =	vld [tilespmem:s11+$0xFFFFFFC0];
	[tilespmem:s2+$0xFFFFFFF0] =	vst v8;
	s11 =	sadd.s32 $0x80, s11  }
0x55: {  	[tilespmem:s2+$0x0] =	vst v1  }
0x56: {  	[tilespmem:s2+$0x10] =	vst v2  }
0x57: {  	[tilespmem:s2+$0x20] =	vst v3  }
0x58: {  	[tilespmem:s2+$0x30] =	vst v4  }
0x59: {  	[tilespmem:s2+$0xFFFFFFD0] =	vst v5  }
0x5a: {  	_ =	swait.ge [sflag:s20], $0x800  }
0x5b: {  	[sflag:s20] =	ssyncset.done $0x0  }
0x5c: {  	s14 =	simm.s32 $0x840;
	[sflag:s20] =	ssyncadd.s32 $0xFFFFF800  }
0x5d: {  	v1 =	vld [tilespmem:s14+$0x30]  }
0x5e: {  	v2 =	vld [tilespmem:s14+$0xFFFFFFD0]  }
0x5f: {  	v3 =	vld [tilespmem:s14+$0xFFFFFFE0]  }
0x60: {  	v4 =	vld [tilespmem:s14+$0xFFFFFFF0]  }
0x61: {  	v5 =	vld [tilespmem:s14+$0x0]  }
0x62: {  	v6 =	vld [tilespmem:s14+$0x10];
	_ =	sdelay $0x1  }
0x63: {  	v7 =	vld [tilespmem:s14+$0x20]  }
0x64: {  	v8 =	vld [tilespmem:s14+$0xFFFFFFC0]  }
0x65: {  	v1 =	vshll.u32 v1, $0xB;
	v2 =	vshll.u32 v2, $0xB;
	v3 =	vshll.u32 v3, $0xB  }
0x66: {  	s3 =	simm.s32 $0xFFFFF870;
	s9 =	simm.s32 $0xFFFFF810;
	s15 =	simm.s32 $0xFFFFF820;
	v4 =	vshll.u32 v4, $0xB;
	v5 =	vshll.u32 v5, $0xB;
	v6 =	vshll.u32 v6, $0xB  }
0x67: {  	s16 =	simm.s32 $0xFFFFF830;
	s18 =	simm.s32 $0xFFFFF840;
	s19 =	simm.s32 $0xFFFFF850;
	v1 =	vadd.s32 s3, v1;
	v2 =	vadd.s32 s9, v2;
	v3 =	vadd.s32 s15, v3  }
0x68: {  	v4 =	vadd.s32 s16, v4;
	v5 =	vadd.s32 s18, v5;
	v10 =	vadd.s32 s19, v6  }
0x69: {  	s21 =	simm.s32 $0xFFFFF860;
	s11 =	simm.s32 $0xFFFFF800;
	v6 =	vshll.u32 v7, $0xB;
	v7 =	vshll.u32 v8, $0xB;
	v1 =	vadd.s32 v0, v1  }
0x6a: {  	v6 =	vadd.s32 s21, v6;
	v7 =	vadd.s32 s11, v7;
	vm0 =	vgt.s32 v1, $0x0  }
0x6b: {  	s2 =	simm.s32 $0x1840;
	v5 =	vadd.s32 v0, v5;
	v9 =	vnsel vm0, $0x0, v1;
	v1 =	vadd.s32 v0, v2  }
0x6c: {  	s12 =	simm.s32 $0x0;
	s13 =	simm.s32 $0x8C0;
	s10 =	simm.s32 $0x1840;
	v2 =	vadd.s32 v0, v3;
	v3 =	vadd.s32 v0, v4;
	v4 =	vadd.s32 v0, v10;
	[tilespmem:s2+$0x30] =	vst v9  }
.LBB2_6:
0x6d: {  	v8 =	vld [tilespmem:s13+$0x30];
	s12 =	sadd.s32 $0x8, s12;
	v7 =	vadd.s32 v0, v7;
	vm0 =	vgt.s32 v1, $0x0;
	v6 =	vadd.s32 v0, v6  }
0x6e: {  	vm2 =	vgt.s32 v2, $0x0;
	vm3 =	vgt.s32 v3, $0x0;
	v9 =	vld [tilespmem:s13+$0xFFFFFFD0];
	p0 =	slt.u32 s12, $0x78;
	vm1 =	vgt.s32 v7, $0x0  }
0x6f: {  	vm4 =	vgt.s32 v5, $0x0;
	vm5 =	vgt.s32 v4, $0x0;
	vm6 =	vgt.s32 v6, $0x0;
	v10 =	vld [tilespmem:s13+$0xFFFFFFE0]  }
0x70: {  	v1 =	vnsel vm0, $0x0, v1;
	v2 =	vnsel vm2, $0x0, v2;
	v7 =	vnsel vm1, $0x0, v7;
	v11 =	vld [tilespmem:s13+$0xFFFFFFF0]  }
0x71: {  	s11 =	sadd.s32 $0x80, s11;
	v3 =	vnsel vm3, $0x0, v3;
	v5 =	vnsel vm4, $0x0, v5;
	v4 =	vnsel vm5, $0x0, v4;
	v12 =	vld [tilespmem:s13+$0x0];
	[tilespmem:s2+$0xFFFFFFC0] =	vst v7  }
0x72: {  	s3 =	sadd.s32 $0x10, s11;
	s9 =	sadd.s32 $0x20, s11;
	s14 =	sadd.s32 $0x70, s11;
	v6 =	vnsel vm6, $0x0, v6;
	v7 =	vld [tilespmem:s13+$0x10];
	v8 =	vshll.u32 v8, $0xB;
	[tilespmem:s2+$0xFFFFFFD0] =	vst v1  }
0x73: {  	s15 =	sadd.s32 $0x30, s11;
	s16 =	sadd.s32 $0x40, s11;
	s18 =	sadd.s32 $0x50, s11;
	v1 =	vshll.u32 v9, $0xB;
	v9 =	vld [tilespmem:s13+$0x20];
	v8 =	vadd.s32 s14, v8;
	[tilespmem:s2+$0xFFFFFFE0] =	vst v2  }
0x74: {  	v13 =	vld [tilespmem:s13+$0xFFFFFFC0];
	v1 =	vadd.s32 s3, v1;
	v2 =	vshll.u32 v10, $0xB;
	s3 =	sadd.s32 $0x60, s11;
	v8 =	vadd.s32 v0, v8;
	[tilespmem:s2+$0xFFFFFFF0] =	vst v3  }
0x75: {  	v2 =	vadd.s32 s9, v2;
	v3 =	vshll.u32 v11, $0xB;
	vm0 =	vgt.s32 v8, $0x0;
	[tilespmem:s2+$0x0] =	vst v5  }
.Ltmp2:
0x76: {  	s2 =	sadd.s32 $0x80, s2;
	v3 =	vadd.s32 s15, v3;
	v5 =	vshll.u32 v12, $0xB;
	v8 =	vnsel vm0, $0x0, v8;
	[tilespmem:s10+$0x10] =	vst v4;
	(pc) =	sbr.rel @p0 .LBB2_6-.Ltmp2, $4  }
0x77: {  	v1 =	vadd.s32 v0, v1;
	v4 =	vadd.s32 s16, v5;
	v5 =	vshll.u32 v7, $0xB;
	[tilespmem:s2+$0x30] =	vst v8  }
0x78: {  	v2 =	vadd.s32 v0, v2;
	v8 =	vadd.s32 s18, v5;
	v5 =	vshll.u32 v9, $0xB;
	[tilespmem:s10+$0x20] =	vst v6;
	s10 =	smov.u32 s2  }
0x79: {  	v3 =	vadd.s32 v0, v3;
	v7 =	vshll.u32 v13, $0xB;
	v6 =	vadd.s32 s3, v5  }
0x7a: {  	s13 =	sadd.s32 $0x80, s13;
	v5 =	vadd.s32 v0, v4;
	v4 =	vadd.s32 v0, v8;
	v7 =	vadd.s32 s11, v7  }
0x7b: {  	vm1 =	vgt.s32 v1, $0x0  }
0x7c: {  	v7 =	vadd.s32 v0, v7;
	vm11 =	vgt.s32 v2, $0x0;
	v1 =	vnsel vm1, $0x0, v1  }
0x7d: {  	vm0 =	vgt.s32 v7, $0x0;
	v2 =	vnsel vm11, $0x0, v2;
	[tilespmem:s2+$0xFFFFFFD0] =	vst v1  }
0x7e: {  	vm12 =	vgt.s32 v3, $0x0;
	v7 =	vnsel vm0, $0x0, v7;
	[tilespmem:s2+$0xFFFFFFE0] =	vst v2  }
0x7f: {  	vm13 =	vgt.s32 v5, $0x0;
	v1 =	vnsel vm12, $0x0, v3;
	[tilespmem:s2+$0xFFFFFFC0] =	vst v7  }
0x80: {  	vm14 =	vgt.s32 v4, $0x0;
	v2 =	vadd.s32 v0, v6;
	v3 =	vnsel vm13, $0x0, v5;
	[tilespmem:s2+$0xFFFFFFF0] =	vst v1  }
0x81: {  	vm15 =	vgt.s32 v2, $0x0;
	v1 =	vnsel vm14, $0x0, v4;
	[tilespmem:s2+$0x0] =	vst v3  }
0x82: {  	v2 =	vnsel vm15, $0x0, v2;
	[tilespmem:s10+$0x10] =	vst v1  }
0x83: {  	s21 =	simm.s32 $0x1800;
	s3 =	simm.s32 $0x3860;
	[tilespmem:s10+$0x20] =	vst v2  }
0x84: {  	[tilespmem:s22], [sflag:$0x4] =	stream.indirect.gather [hbm4b:s1+s17], $0x1, s21, s17, $0xb8;
	[tilespmem:$0x3C20] =	vst v63  }
0x85: {  	v4 =	vld [tilespmem:s3+$0x30]  }
0x86: {  	v5 =	vld [tilespmem:s3+$0xFFFFFFD0]  }
0x87: {  	v6 =	vld [tilespmem:s3+$0xFFFFFFE0]  }
0x88: {  	v1 =	vld [tilespmem:s3+$0xFFFFFFF0]  }
0x89: {  	s2 =	simm.s32 $0x3450;
	v2 =	vld [tilespmem:s3+$0x0]  }
0x8a: {  	v3 =	vld [tilespmem:s3+$0x10];
	[tilespmem:s2+$0x40] =	vst v4  }
0x8b: {  	[tilespmem:s2+$0xFFFFFFE0] =	vst v5;
	v4 =	vld [tilespmem:s3+$0x20]  }
0x8c: {  	s11 =	simm.s32 $0x38E0;
	s10 =	simm.s32 $0x0;
	v5 =	vld [tilespmem:s3+$0xFFFFFFC0];
	[tilespmem:s2+$0xFFFFFFF0] =	vst v6  }
.LBB2_8:
0x8d: {  	v6 =	vld [tilespmem:s11+$0x30];
	s10 =	sadd.s32 $0x8, s10;
	[tilespmem:s2+$0x0] =	vst v1  }
0x8e: {  	v7 =	vld [tilespmem:s11+$0xFFFFFFD0];
	p0 =	slt.u32 s10, $0x38;
	[tilespmem:s2+$0x10] =	vst v2  }
0x8f: {  	v8 =	vld [tilespmem:s11+$0xFFFFFFE0];
	[tilespmem:s2+$0x20] =	vst v3  }
.Ltmp3:
0x90: {  	v1 =	vld [tilespmem:s11+$0xFFFFFFF0];
	[tilespmem:s2+$0x30] =	vst v4;
	(pc) =	sbr.rel @p0 .LBB2_8-.Ltmp3, $4  }
0x91: {  	v2 =	vld [tilespmem:s11+$0x0];
	[tilespmem:s2+$0xFFFFFFD0] =	vst v5;
	s2 =	sadd.s32 $0x80, s2  }
0x92: {  	v3 =	vld [tilespmem:s11+$0x10];
	[tilespmem:s2+$0x40] =	vst v6  }
0x93: {  	[tilespmem:s2+$0xFFFFFFE0] =	vst v7;
	v4 =	vld [tilespmem:s11+$0x20]  }
0x94: {  	v5 =	vld [tilespmem:s11+$0xFFFFFFC0];
	[tilespmem:s2+$0xFFFFFFF0] =	vst v8;
	s11 =	sadd.s32 $0x80, s11  }
0x95: {  	[tilespmem:s2+$0x0] =	vst v1  }
0x96: {  	[tilespmem:s2+$0x10] =	vst v2  }
0x97: {  	[tilespmem:s2+$0x20] =	vst v3  }
0x98: {  	[tilespmem:s2+$0x30] =	vst v4  }
0x99: {  	[tilespmem:s2+$0xFFFFFFD0] =	vst v5  }
0x9a: {  	_ =	swait.ge [sflag:s23], $0x800  }
0x9b: {  	s10 =	simm.s32 $0x40;
	[sflag:s23] =	ssyncset.done $0x0  }
0x9c: {  	s11 =	simm.s32 $0x2040;
	s2 =	simm.s32 $0xFFFFFFF8;
	[sflag:s23] =	ssyncadd.s32 $0xFFFFF800  }
.LBB2_10:
0x9d: {  	v1 =	vld [tilespmem:s10+$0xFFFFFFC0];
	_ =	sdelay $0x4  }
0x9e: {  	v2 =	vld [tilespmem:s11+$0xFFFFFFC0];
	v1 =	vadd.s32 $0xF, v1;
	_ =	sdelay $0x4  }
0x9f: {  	[tilespmem:v1+s24+$0x0] =	vst.idx.add.f32.msk $0xffff, v2  }
0xa0: {  	v1 =	vld [tilespmem:s10+$0xFFFFFFD0];
	_ =	sdelay $0x4  }
0xa1: {  	v2 =	vld [tilespmem:s11+$0xFFFFFFD0];
	v1 =	vadd.s32 $0xF, v1;
	_ =	sdelay $0x4  }
0xa2: {  	[tilespmem:v1+s24+$0x0] =	vst.idx.add.f32.msk $0xffff, v2  }
0xa3: {  	v1 =	vld [tilespmem:s10+$0xFFFFFFE0];
	_ =	sdelay $0x4  }
0xa4: {  	v2 =	vld [tilespmem:s11+$0xFFFFFFE0];
	v1 =	vadd.s32 $0xF, v1;
	_ =	sdelay $0x4  }
0xa5: {  	[tilespmem:v1+s24+$0x0] =	vst.idx.add.f32.msk $0xffff, v2  }
0xa6: {  	v1 =	vld [tilespmem:s10+$0xFFFFFFF0];
	_ =	sdelay $0x4  }
0xa7: {  	v2 =	vld [tilespmem:s11+$0xFFFFFFF0];
	v1 =	vadd.s32 $0xF, v1;
	_ =	sdelay $0x4  }
0xa8: {  	[tilespmem:v1+s24+$0x0] =	vst.idx.add.f32.msk $0xffff, v2  }
0xa9: {  	v1 =	vld [tilespmem:s10+$0x0];
	_ =	sdelay $0x4  }
0xaa: {  	v2 =	vld [tilespmem:s11+$0x0];
	v1 =	vadd.s32 $0xF, v1;
	_ =	sdelay $0x4  }
0xab: {  	[tilespmem:v1+s24+$0x0] =	vst.idx.add.f32.msk $0xffff, v2  }
0xac: {  	v1 =	vld [tilespmem:s10+$0x10];
	_ =	sdelay $0x4  }
0xad: {  	v2 =	vld [tilespmem:s11+$0x10];
	v1 =	vadd.s32 $0xF, v1;
	_ =	sdelay $0x4  }
0xae: {  	[tilespmem:v1+s24+$0x0] =	vst.idx.add.f32.msk $0xffff, v2  }
0xaf: {  	v1 =	vld [tilespmem:s10+$0x20];
	_ =	sdelay $0x4  }
0xb0: {  	v2 =	vld [tilespmem:s11+$0x20];
	v1 =	vadd.s32 $0xF, v1;
	_ =	sdelay $0x4  }
0xb1: {  	[tilespmem:v1+s24+$0x0] =	vst.idx.add.f32.msk $0xffff, v2  }
0xb2: {  	v1 =	vld [tilespmem:s10+$0x30];
	_ =	sdelay $0x3  }
0xb3: {  	s2 =	sadd.s32 $0x8, s2  }
0xb4: {  	p0 =	slt.u32 s2, $0x78;
	v2 =	vld [tilespmem:s11+$0x30];
	v1 =	vadd.s32 $0xF, v1  }
.Ltmp4:
0xb5: {  	_ = 	snop;
	(pc) =	sbr.rel @p0 .LBB2_10-.Ltmp4, $2  }
0xb6: {  	_ =	sdelay $0x2  }
0xb7: {  	s10 =	sadd.s32 $0x80, s10;
	s11 =	sadd.s32 $0x80, s11;
	[tilespmem:v1+s24+$0x0] =	vst.idx.add.f32.msk $0xffff, v2  }
0xb8: {  	s2 =	rddreg [dreg:$0x6]  }
0xb9: {  	[hbm4b:s2+s4] =	stream.linear.scatter [tilespmem:s25], [sflag:$0x5], $0x400, $0x38;
	[tilespmem:$0x3C20] =	vst v63  }
0xba: {  	s21 =	rddreg [dreg:$0x7];
	s2 =	simm.s32 $0x1  }
0xbb: {  	[tilespmem:s4], [sflag:$0x1] =	stream.linear.gather [hbm4b:s21+s4], $0x800, $0x38;
	[tilespmem:$0x3C20] =	vst v63  }
.LBB2_12:
0xbc: {  	_ =	swait.ge [sflag:s26], $0x800  }
0xbd: {  	[sflag:s26] =	ssyncset.done $0x0  }
0xbe: {  	s3 =	simm.s32 $0x40;
	[sflag:s26] =	ssyncadd.s32 $0xFFFFF800  }
0xbf: {  	v1 =	vld [tilespmem:s3+$0x30]  }
0xc0: {  	v2 =	vld [tilespmem:s3+$0xFFFFFFD0]  }
0xc1: {  	v3 =	vld [tilespmem:s3+$0xFFFFFFE0]  }
0xc2: {  	v4 =	vld [tilespmem:s3+$0xFFFFFFF0]  }
0xc3: {  	v5 =	vld [tilespmem:s3+$0x0]  }
0xc4: {  	v6 =	vld [tilespmem:s3+$0x10];
	_ =	sdelay $0x1  }
0xc5: {  	v7 =	vld [tilespmem:s3+$0x20]  }
0xc6: {  	v8 =	vld [tilespmem:s3+$0xFFFFFFC0]  }
0xc7: {  	v1 =	vshll.u32 v1, $0xB;
	v2 =	vshll.u32 v2, $0xB;
	v3 =	vshll.u32 v3, $0xB  }
0xc8: {  	s9 =	simm.s32 $0xFFFFF870;
	s10 =	simm.s32 $0xFFFFF810;
	s15 =	simm.s32 $0xFFFFF820;
	v4 =	vshll.u32 v4, $0xB;
	v5 =	vshll.u32 v5, $0xB;
	v6 =	vshll.u32 v6, $0xB  }
0xc9: {  	s16 =	simm.s32 $0xFFFFF830;
	s18 =	simm.s32 $0xFFFFF840;
	s19 =	simm.s32 $0xFFFFF850;
	v1 =	vadd.s32 s9, v1;
	v2 =	vadd.s32 s10, v2;
	v3 =	vadd.s32 s15, v3  }
0xca: {  	v4 =	vadd.s32 s16, v4;
	v5 =	vadd.s32 s18, v5;
	v10 =	vadd.s32 s19, v6  }
0xcb: {  	s21 =	simm.s32 $0xFFFFF860;
	s11 =	simm.s32 $0xFFFFF800;
	v6 =	vshll.u32 v7, $0xB;
	v7 =	vshll.u32 v8, $0xB;
	v1 =	vadd.s32 v0, v1  }
0xcc: {  	v6 =	vadd.s32 s21, v6;
	v7 =	vadd.s32 s11, v7;
	vm0 =	vgt.s32 v1, $0x0  }
0xcd: {  	s15 =	simm.s32 $0x1040;
	v5 =	vadd.s32 v0, v5;
	v9 =	vnsel vm0, $0x0, v1;
	v1 =	vadd.s32 v0, v2  }
0xce: {  	s12 =	simm.s32 $0x0;
	s13 =	simm.s32 $0xC0;
	s10 =	simm.s32 $0x1040;
	v2 =	vadd.s32 v0, v3;
	v3 =	vadd.s32 v0, v4;
	v4 =	vadd.s32 v0, v10;
	[tilespmem:s15+$0x30] =	vst v9  }
.LBB2_13:
0xcf: {  	v8 =	vld [tilespmem:s13+$0x30];
	s12 =	sadd.s32 $0x8, s12;
	v7 =	vadd.s32 v0, v7;
	vm0 =	vgt.s32 v1, $0x0;
	v6 =	vadd.s32 v0, v6  }
0xd0: {  	vm2 =	vgt.s32 v2, $0x0;
	vm3 =	vgt.s32 v3, $0x0;
	v9 =	vld [tilespmem:s13+$0xFFFFFFD0];
	p0 =	slt.u32 s12, $0x78;
	vm1 =	vgt.s32 v7, $0x0  }
0xd1: {  	vm4 =	vgt.s32 v5, $0x0;
	vm5 =	vgt.s32 v4, $0x0;
	vm6 =	vgt.s32 v6, $0x0;
	v10 =	vld [tilespmem:s13+$0xFFFFFFE0]  }
0xd2: {  	v1 =	vnsel vm0, $0x0, v1;
	v2 =	vnsel vm2, $0x0, v2;
	v7 =	vnsel vm1, $0x0, v7;
	v11 =	vld [tilespmem:s13+$0xFFFFFFF0]  }
0xd3: {  	s11 =	sadd.s32 $0x80, s11;
	v3 =	vnsel vm3, $0x0, v3;
	v5 =	vnsel vm4, $0x0, v5;
	v4 =	vnsel vm5, $0x0, v4;
	v12 =	vld [tilespmem:s13+$0x0];
	[tilespmem:s15+$0xFFFFFFC0] =	vst v7  }
0xd4: {  	s3 =	sadd.s32 $0x10, s11;
	s9 =	sadd.s32 $0x20, s11;
	s14 =	sadd.s32 $0x70, s11;
	v6 =	vnsel vm6, $0x0, v6;
	v7 =	vld [tilespmem:s13+$0x10];
	v8 =	vshll.u32 v8, $0xB;
	[tilespmem:s15+$0xFFFFFFD0] =	vst v1  }
0xd5: {  	s16 =	sadd.s32 $0x30, s11;
	s18 =	sadd.s32 $0x40, s11;
	s19 =	sadd.s32 $0x50, s11;
	v1 =	vshll.u32 v9, $0xB;
	v9 =	vld [tilespmem:s13+$0x20];
	v8 =	vadd.s32 s14, v8;
	[tilespmem:s15+$0xFFFFFFE0] =	vst v2  }
0xd6: {  	v13 =	vld [tilespmem:s13+$0xFFFFFFC0];
	v1 =	vadd.s32 s3, v1;
	v2 =	vshll.u32 v10, $0xB;
	s3 =	sadd.s32 $0x60, s11;
	v8 =	vadd.s32 v0, v8;
	[tilespmem:s15+$0xFFFFFFF0] =	vst v3  }
0xd7: {  	v2 =	vadd.s32 s9, v2;
	v3 =	vshll.u32 v11, $0xB;
	vm0 =	vgt.s32 v8, $0x0;
	[tilespmem:s15+$0x0] =	vst v5  }
.Ltmp5:
0xd8: {  	s15 =	sadd.s32 $0x80, s15;
	v3 =	vadd.s32 s16, v3;
	v5 =	vshll.u32 v12, $0xB;
	v8 =	vnsel vm0, $0x0, v8;
	[tilespmem:s10+$0x10] =	vst v4;
	(pc) =	sbr.rel @p0 .LBB2_13-.Ltmp5, $4  }
0xd9: {  	v1 =	vadd.s32 v0, v1;
	v4 =	vadd.s32 s18, v5;
	v5 =	vshll.u32 v7, $0xB;
	[tilespmem:s15+$0x30] =	vst v8  }
0xda: {  	v2 =	vadd.s32 v0, v2;
	v8 =	vadd.s32 s19, v5;
	v5 =	vshll.u32 v9, $0xB;
	[tilespmem:s10+$0x20] =	vst v6;
	s10 =	smov.u32 s15  }
0xdb: {  	v3 =	vadd.s32 v0, v3;
	v7 =	vshll.u32 v13, $0xB;
	v6 =	vadd.s32 s3, v5  }
0xdc: {  	s13 =	sadd.s32 $0x80, s13;
	v5 =	vadd.s32 v0, v4;
	v4 =	vadd.s32 v0, v8;
	v7 =	vadd.s32 s11, v7  }
0xdd: {  	vm1 =	vgt.s32 v1, $0x0  }
0xde: {  	v7 =	vadd.s32 v0, v7;
	vm11 =	vgt.s32 v2, $0x0;
	v1 =	vnsel vm1, $0x0, v1  }
0xdf: {  	vm0 =	vgt.s32 v7, $0x0;
	v2 =	vnsel vm11, $0x0, v2;
	[tilespmem:s15+$0xFFFFFFD0] =	vst v1  }
0xe0: {  	vm12 =	vgt.s32 v3, $0x0;
	v7 =	vnsel vm0, $0x0, v7;
	[tilespmem:s15+$0xFFFFFFE0] =	vst v2  }
0xe1: {  	vm13 =	vgt.s32 v5, $0x0;
	v1 =	vnsel vm12, $0x0, v3;
	[tilespmem:s15+$0xFFFFFFC0] =	vst v7  }
0xe2: {  	vm14 =	vgt.s32 v4, $0x0;
	v2 =	vadd.s32 v0, v6;
	v3 =	vnsel vm13, $0x0, v5;
	[tilespmem:s15+$0xFFFFFFF0] =	vst v1  }
0xe3: {  	vm15 =	vgt.s32 v2, $0x0;
	v1 =	vnsel vm14, $0x0, v4;
	[tilespmem:s15+$0x0] =	vst v3  }
0xe4: {  	v2 =	vnsel vm15, $0x0, v2;
	[tilespmem:s10+$0x10] =	vst v1  }
0xe5: {  	s3 =	simm.s32 $0x1000;
	s9 =	simm.s32 $0x2000;
	[tilespmem:s10+$0x20] =	vst v2  }
0xe6: {  	[tilespmem:s9], [sflag:$0x3] =	stream.indirect.gather [hbm4b:s1+s17], $0x1, s3, s17, $0xb8;
	[tilespmem:$0x3C20] =	vst v63  }
0xe7: {  	_ =	swait.ge [sflag:s28], $0x400  }
0xe8: {  	[sflag:s28] =	ssyncset.done $0x0  }
0xe9: {  	s21 =	simm.s32 $0x3860;
	[sflag:s28] =	ssyncadd.s32 $0xFFFFFC00  }
0xea: {  	v4 =	vld [tilespmem:s21+$0x30]  }
0xeb: {  	v5 =	vld [tilespmem:s21+$0xFFFFFFD0]  }
0xec: {  	v6 =	vld [tilespmem:s21+$0xFFFFFFE0]  }
0xed: {  	v1 =	vld [tilespmem:s21+$0xFFFFFFF0]  }
0xee: {  	s10 =	simm.s32 $0x3040;
	v2 =	vld [tilespmem:s21+$0x0]  }
0xef: {  	v3 =	vld [tilespmem:s21+$0x10];
	[tilespmem:s10+$0x40] =	vst v4  }
0xf0: {  	[tilespmem:s10+$0xFFFFFFE0] =	vst v5;
	v4 =	vld [tilespmem:s21+$0x20]  }
0xf1: {  	s11 =	simm.s32 $0x0;
	s12 =	simm.s32 $0x38E0;
	v5 =	vld [tilespmem:s21+$0xFFFFFFC0];
	[tilespmem:s10+$0xFFFFFFF0] =	vst v6  }
.LBB2_15:
0xf2: {  	v6 =	vld [tilespmem:s12+$0x30];
	s11 =	sadd.s32 $0x8, s11;
	[tilespmem:s10+$0x0] =	vst v1  }
0xf3: {  	v7 =	vld [tilespmem:s12+$0xFFFFFFD0];
	p0 =	slt.u32 s11, $0x38;
	[tilespmem:s10+$0x10] =	vst v2  }
0xf4: {  	v8 =	vld [tilespmem:s12+$0xFFFFFFE0];
	[tilespmem:s10+$0x20] =	vst v3  }
.Ltmp6:
0xf5: {  	v1 =	vld [tilespmem:s12+$0xFFFFFFF0];
	[tilespmem:s10+$0x30] =	vst v4;
	(pc) =	sbr.rel @p0 .LBB2_15-.Ltmp6, $4  }
0xf6: {  	v2 =	vld [tilespmem:s12+$0x0];
	[tilespmem:s10+$0xFFFFFFD0] =	vst v5;
	s10 =	sadd.s32 $0x80, s10  }
0xf7: {  	v3 =	vld [tilespmem:s12+$0x10];
	[tilespmem:s10+$0x40] =	vst v6  }
0xf8: {  	[tilespmem:s10+$0xFFFFFFE0] =	vst v7;
	v4 =	vld [tilespmem:s12+$0x20]  }
0xf9: {  	v5 =	vld [tilespmem:s12+$0xFFFFFFC0];
	[tilespmem:s10+$0xFFFFFFF0] =	vst v8;
	s12 =	sadd.s32 $0x80, s12  }
0xfa: {  	[tilespmem:s10+$0x0] =	vst v1  }
0xfb: {  	[tilespmem:s10+$0x10] =	vst v2  }
0xfc: {  	[tilespmem:s10+$0x20] =	vst v3  }
0xfd: {  	[tilespmem:s10+$0x30] =	vst v4  }
0xfe: {  	[tilespmem:s10+$0xFFFFFFD0] =	vst v5  }
0xff: {  	_ =	swait.ge [sflag:s29], $0x800  }
0x100: {  	s11 =	simm.s32 $0x840;
	[sflag:s29] =	ssyncset.done $0x0  }
0x101: {  	s12 =	simm.s32 $0x2840;
	s10 =	simm.s32 $0xFFFFFFF8;
	[sflag:s29] =	ssyncadd.s32 $0xFFFFF800  }
.LBB2_17:
0x102: {  	v1 =	vld [tilespmem:s11+$0xFFFFFFC0];
	_ =	sdelay $0x4  }
0x103: {  	v2 =	vld [tilespmem:s12+$0xFFFFFFC0];
	v1 =	vadd.s32 $0xF, v1;
	_ =	sdelay $0x4  }
0x104: {  	[tilespmem:v1+s30+$0x0] =	vst.idx.add.f32.msk $0xffff, v2  }
0x105: {  	v1 =	vld [tilespmem:s11+$0xFFFFFFD0];
	_ =	sdelay $0x4  }
0x106: {  	v2 =	vld [tilespmem:s12+$0xFFFFFFD0];
	v1 =	vadd.s32 $0xF, v1;
	_ =	sdelay $0x4  }
0x107: {  	[tilespmem:v1+s30+$0x0] =	vst.idx.add.f32.msk $0xffff, v2  }
0x108: {  	v1 =	vld [tilespmem:s11+$0xFFFFFFE0];
	_ =	sdelay $0x4  }
0x109: {  	v2 =	vld [tilespmem:s12+$0xFFFFFFE0];
	v1 =	vadd.s32 $0xF, v1;
	_ =	sdelay $0x4  }
0x10a: {  	[tilespmem:v1+s30+$0x0] =	vst.idx.add.f32.msk $0xffff, v2  }
0x10b: {  	v1 =	vld [tilespmem:s11+$0xFFFFFFF0];
	_ =	sdelay $0x4  }
0x10c: {  	v2 =	vld [tilespmem:s12+$0xFFFFFFF0];
	v1 =	vadd.s32 $0xF, v1;
	_ =	sdelay $0x4  }
0x10d: {  	[tilespmem:v1+s30+$0x0] =	vst.idx.add.f32.msk $0xffff, v2  }
0x10e: {  	v1 =	vld [tilespmem:s11+$0x0];
	_ =	sdelay $0x4  }
0x10f: {  	v2 =	vld [tilespmem:s12+$0x0];
	v1 =	vadd.s32 $0xF, v1;
	_ =	sdelay $0x4  }
0x110: {  	[tilespmem:v1+s30+$0x0] =	vst.idx.add.f32.msk $0xffff, v2  }
0x111: {  	v1 =	vld [tilespmem:s11+$0x10];
	_ =	sdelay $0x4  }
0x112: {  	v2 =	vld [tilespmem:s12+$0x10];
	v1 =	vadd.s32 $0xF, v1;
	_ =	sdelay $0x4  }
0x113: {  	[tilespmem:v1+s30+$0x0] =	vst.idx.add.f32.msk $0xffff, v2  }
0x114: {  	v1 =	vld [tilespmem:s11+$0x20];
	_ =	sdelay $0x4  }
0x115: {  	v2 =	vld [tilespmem:s12+$0x20];
	v1 =	vadd.s32 $0xF, v1;
	_ =	sdelay $0x4  }
0x116: {  	[tilespmem:v1+s30+$0x0] =	vst.idx.add.f32.msk $0xffff, v2  }
0x117: {  	v1 =	vld [tilespmem:s11+$0x30];
	_ =	sdelay $0x3  }
0x118: {  	s10 =	sadd.s32 $0x8, s10  }
0x119: {  	p0 =	slt.u32 s10, $0x78;
	v2 =	vld [tilespmem:s12+$0x30];
	v1 =	vadd.s32 $0xF, v1  }
.Ltmp7:
0x11a: {  	_ = 	snop;
	(pc) =	sbr.rel @p0 .LBB2_17-.Ltmp7, $2  }
0x11b: {  	_ =	sdelay $0x2  }
0x11c: {  	s11 =	sadd.s32 $0x80, s11;
	s12 =	sadd.s32 $0x80, s12;
	[tilespmem:v1+s30+$0x0] =	vst.idx.add.f32.msk $0xffff, v2  }
0x11d: {  	s3 =	sshll.u32 s2, $0x1  }
0x11e: {  	s15 =	sor.u32 s6, s3  }
0x11f: {  	s3 =	sshll.u32 s15, $0xA  }
0x120: {  	s3 =	sadd.s32 $0xFFFFFC00, s3  }
0x121: {  	s3 =	sshrl.u32 s3, $0x3  }
0x122: {  	s12 =	sor.u32 $0x1, s15;
	s3 =	sadd.s32 s7, s3  }
0x123: {  	[hbm4b:s3+s4] =	stream.linear.scatter [tilespmem:s31], [sflag:$0x6], $0x400, $0x38;
	[tilespmem:$0x3C20] =	vst v63  }
0x124: {  	s3 =	smin.u32 s12, s8  }
0x125: {  	s3 =	sshll.u32 s3, $0x8  }
0x126: {  	s3 =	sadd.s32 s5, s3  }
0x127: {  	[tilespmem:s17], [sflag:$0x2] =	stream.linear.gather [hbm4b:s3+s4], $0x800, $0x38;
	[tilespmem:$0x3C20] =	vst v63  }
0x128: {  	_ =	swait.ge [sflag:s20], $0x800  }
0x129: {  	[sflag:s20] =	ssyncset.done $0x0  }
0x12a: {  	s13 =	simm.s32 $0x840;
	[sflag:s20] =	ssyncadd.s32 $0xFFFFF800  }
0x12b: {  	v1 =	vld [tilespmem:s13+$0x30]  }
0x12c: {  	v2 =	vld [tilespmem:s13+$0xFFFFFFD0]  }
0x12d: {  	v3 =	vld [tilespmem:s13+$0xFFFFFFE0]  }
0x12e: {  	v4 =	vld [tilespmem:s13+$0xFFFFFFF0]  }
0x12f: {  	v5 =	vld [tilespmem:s13+$0x0]  }
0x130: {  	v6 =	vld [tilespmem:s13+$0x10];
	_ =	sdelay $0x1  }
0x131: {  	v7 =	vld [tilespmem:s13+$0x20]  }
0x132: {  	v8 =	vld [tilespmem:s13+$0xFFFFFFC0]  }
0x133: {  	v1 =	vshll.u32 v1, $0xB;
	v2 =	vshll.u32 v2, $0xB;
	v3 =	vshll.u32 v3, $0xB  }
0x134: {  	s9 =	simm.s32 $0xFFFFF870;
	s10 =	simm.s32 $0xFFFFF810;
	s14 =	simm.s32 $0xFFFFF820;
	v4 =	vshll.u32 v4, $0xB;
	v5 =	vshll.u32 v5, $0xB;
	v6 =	vshll.u32 v6, $0xB  }
0x135: {  	s16 =	simm.s32 $0xFFFFF830;
	s18 =	simm.s32 $0xFFFFF840;
	s19 =	simm.s32 $0xFFFFF850;
	v1 =	vadd.s32 s9, v1;
	v2 =	vadd.s32 s10, v2;
	v3 =	vadd.s32 s14, v3  }
0x136: {  	v4 =	vadd.s32 s16, v4;
	v5 =	vadd.s32 s18, v5;
	v10 =	vadd.s32 s19, v6  }
0x137: {  	s21 =	simm.s32 $0xFFFFF860;
	s12 =	simm.s32 $0xFFFFF800;
	v6 =	vshll.u32 v7, $0xB;
	v7 =	vshll.u32 v8, $0xB;
	v1 =	vadd.s32 v0, v1  }
0x138: {  	v6 =	vadd.s32 s21, v6;
	v7 =	vadd.s32 s12, v7;
	vm0 =	vgt.s32 v1, $0x0  }
0x139: {  	s10 =	simm.s32 $0x1840;
	v5 =	vadd.s32 v0, v5;
	v9 =	vnsel vm0, $0x0, v1;
	v1 =	vadd.s32 v0, v2  }
0x13a: {  	s11 =	simm.s32 $0x1840;
	s13 =	simm.s32 $0x0;
	s14 =	simm.s32 $0x8C0;
	v2 =	vadd.s32 v0, v3;
	v3 =	vadd.s32 v0, v4;
	v4 =	vadd.s32 v0, v10;
	[tilespmem:s10+$0x30] =	vst v9  }
.LBB2_19:
0x13b: {  	v8 =	vld [tilespmem:s14+$0x30];
	s13 =	sadd.s32 $0x8, s13;
	v7 =	vadd.s32 v0, v7;
	vm0 =	vgt.s32 v1, $0x0;
	v6 =	vadd.s32 v0, v6  }
0x13c: {  	vm2 =	vgt.s32 v2, $0x0;
	vm3 =	vgt.s32 v3, $0x0;
	v9 =	vld [tilespmem:s14+$0xFFFFFFD0];
	p0 =	slt.u32 s13, $0x78;
	vm1 =	vgt.s32 v7, $0x0  }
0x13d: {  	vm4 =	vgt.s32 v5, $0x0;
	vm5 =	vgt.s32 v4, $0x0;
	vm6 =	vgt.s32 v6, $0x0;
	v10 =	vld [tilespmem:s14+$0xFFFFFFE0]  }
0x13e: {  	v1 =	vnsel vm0, $0x0, v1;
	v2 =	vnsel vm2, $0x0, v2;
	v7 =	vnsel vm1, $0x0, v7;
	v11 =	vld [tilespmem:s14+$0xFFFFFFF0]  }
0x13f: {  	s12 =	sadd.s32 $0x80, s12;
	v3 =	vnsel vm3, $0x0, v3;
	v5 =	vnsel vm4, $0x0, v5;
	v4 =	vnsel vm5, $0x0, v4;
	v12 =	vld [tilespmem:s14+$0x0];
	[tilespmem:s10+$0xFFFFFFC0] =	vst v7  }
0x140: {  	s3 =	sadd.s32 $0x10, s12;
	s9 =	sadd.s32 $0x20, s12;
	s16 =	sadd.s32 $0x70, s12;
	v6 =	vnsel vm6, $0x0, v6;
	v7 =	vld [tilespmem:s14+$0x10];
	v8 =	vshll.u32 v8, $0xB;
	[tilespmem:s10+$0xFFFFFFD0] =	vst v1  }
0x141: {  	s18 =	sadd.s32 $0x30, s12;
	s19 =	sadd.s32 $0x40, s12;
	s21 =	sadd.s32 $0x50, s12;
	v1 =	vshll.u32 v9, $0xB;
	v9 =	vld [tilespmem:s14+$0x20];
	v8 =	vadd.s32 s16, v8;
	[tilespmem:s10+$0xFFFFFFE0] =	vst v2  }
0x142: {  	v13 =	vld [tilespmem:s14+$0xFFFFFFC0];
	v1 =	vadd.s32 s3, v1;
	v2 =	vshll.u32 v10, $0xB;
	s3 =	sadd.s32 $0x60, s12;
	v8 =	vadd.s32 v0, v8;
	[tilespmem:s10+$0xFFFFFFF0] =	vst v3  }
0x143: {  	v2 =	vadd.s32 s9, v2;
	v3 =	vshll.u32 v11, $0xB;
	vm0 =	vgt.s32 v8, $0x0;
	[tilespmem:s10+$0x0] =	vst v5  }
.Ltmp8:
0x144: {  	s10 =	sadd.s32 $0x80, s10;
	v3 =	vadd.s32 s18, v3;
	v5 =	vshll.u32 v12, $0xB;
	v8 =	vnsel vm0, $0x0, v8;
	[tilespmem:s11+$0x10] =	vst v4;
	(pc) =	sbr.rel @p0 .LBB2_19-.Ltmp8, $4  }
0x145: {  	v1 =	vadd.s32 v0, v1;
	v4 =	vadd.s32 s19, v5;
	v5 =	vshll.u32 v7, $0xB;
	[tilespmem:s10+$0x30] =	vst v8  }
0x146: {  	v2 =	vadd.s32 v0, v2;
	v8 =	vadd.s32 s21, v5;
	v5 =	vshll.u32 v9, $0xB;
	[tilespmem:s11+$0x20] =	vst v6;
	s11 =	smov.u32 s10  }
0x147: {  	v3 =	vadd.s32 v0, v3;
	v7 =	vshll.u32 v13, $0xB;
	v6 =	vadd.s32 s3, v5  }
0x148: {  	s14 =	sadd.s32 $0x80, s14;
	v5 =	vadd.s32 v0, v4;
	v4 =	vadd.s32 v0, v8;
	v7 =	vadd.s32 s12, v7  }
0x149: {  	vm1 =	vgt.s32 v1, $0x0  }
0x14a: {  	v7 =	vadd.s32 v0, v7;
	vm11 =	vgt.s32 v2, $0x0;
	v1 =	vnsel vm1, $0x0, v1  }
0x14b: {  	vm0 =	vgt.s32 v7, $0x0;
	v2 =	vnsel vm11, $0x0, v2;
	[tilespmem:s10+$0xFFFFFFD0] =	vst v1  }
0x14c: {  	vm12 =	vgt.s32 v3, $0x0;
	v7 =	vnsel vm0, $0x0, v7;
	[tilespmem:s10+$0xFFFFFFE0] =	vst v2  }
0x14d: {  	vm13 =	vgt.s32 v5, $0x0;
	v1 =	vnsel vm12, $0x0, v3;
	[tilespmem:s10+$0xFFFFFFC0] =	vst v7  }
0x14e: {  	vm14 =	vgt.s32 v4, $0x0;
	v2 =	vadd.s32 v0, v6;
	v3 =	vnsel vm13, $0x0, v5;
	[tilespmem:s10+$0xFFFFFFF0] =	vst v1  }
0x14f: {  	vm15 =	vgt.s32 v2, $0x0;
	v1 =	vnsel vm14, $0x0, v4;
	[tilespmem:s10+$0x0] =	vst v3  }
0x150: {  	v2 =	vnsel vm15, $0x0, v2;
	[tilespmem:s11+$0x10] =	vst v1  }
0x151: {  	s3 =	simm.s32 $0x1800;
	[tilespmem:s11+$0x20] =	vst v2  }
0x152: {  	[tilespmem:s22], [sflag:$0x4] =	stream.indirect.gather [hbm4b:s1+s17], $0x1, s3, s17, $0xb8;
	[tilespmem:$0x3C20] =	vst v63  }
0x153: {  	_ =	swait.ge [sflag:s0], $0x400  }
0x154: {  	[sflag:s0] =	ssyncset.done $0x0  }
0x155: {  	s21 =	simm.s32 $0x3860;
	[sflag:s0] =	ssyncadd.s32 $0xFFFFFC00  }
0x156: {  	v4 =	vld [tilespmem:s21+$0x30]  }
0x157: {  	v5 =	vld [tilespmem:s21+$0xFFFFFFD0]  }
0x158: {  	v6 =	vld [tilespmem:s21+$0xFFFFFFE0]  }
0x159: {  	v1 =	vld [tilespmem:s21+$0xFFFFFFF0]  }
0x15a: {  	s10 =	simm.s32 $0x3450;
	v2 =	vld [tilespmem:s21+$0x0]  }
0x15b: {  	v3 =	vld [tilespmem:s21+$0x10];
	[tilespmem:s10+$0x40] =	vst v4  }
0x15c: {  	[tilespmem:s10+$0xFFFFFFE0] =	vst v5;
	v4 =	vld [tilespmem:s21+$0x20]  }
0x15d: {  	s12 =	simm.s32 $0x38E0;
	s11 =	simm.s32 $0x0;
	v5 =	vld [tilespmem:s21+$0xFFFFFFC0];
	[tilespmem:s10+$0xFFFFFFF0] =	vst v6  }
.LBB2_21:
0x15e: {  	v6 =	vld [tilespmem:s12+$0x30];
	s11 =	sadd.s32 $0x8, s11;
	[tilespmem:s10+$0x0] =	vst v1  }
0x15f: {  	v7 =	vld [tilespmem:s12+$0xFFFFFFD0];
	p0 =	slt.u32 s11, $0x38;
	[tilespmem:s10+$0x10] =	vst v2  }
0x160: {  	v8 =	vld [tilespmem:s12+$0xFFFFFFE0];
	[tilespmem:s10+$0x20] =	vst v3  }
.Ltmp9:
0x161: {  	v1 =	vld [tilespmem:s12+$0xFFFFFFF0];
	[tilespmem:s10+$0x30] =	vst v4;
	(pc) =	sbr.rel @p0 .LBB2_21-.Ltmp9, $4  }
0x162: {  	v2 =	vld [tilespmem:s12+$0x0];
	[tilespmem:s10+$0xFFFFFFD0] =	vst v5;
	s10 =	sadd.s32 $0x80, s10  }
0x163: {  	v3 =	vld [tilespmem:s12+$0x10];
	[tilespmem:s10+$0x40] =	vst v6  }
0x164: {  	[tilespmem:s10+$0xFFFFFFE0] =	vst v7;
	v4 =	vld [tilespmem:s12+$0x20]  }
0x165: {  	v5 =	vld [tilespmem:s12+$0xFFFFFFC0];
	[tilespmem:s10+$0xFFFFFFF0] =	vst v8;
	s12 =	sadd.s32 $0x80, s12  }
0x166: {  	[tilespmem:s10+$0x0] =	vst v1  }
0x167: {  	[tilespmem:s10+$0x10] =	vst v2  }
0x168: {  	[tilespmem:s10+$0x20] =	vst v3  }
0x169: {  	[tilespmem:s10+$0x30] =	vst v4  }
0x16a: {  	[tilespmem:s10+$0xFFFFFFD0] =	vst v5  }
0x16b: {  	_ =	swait.ge [sflag:s23], $0x800  }
0x16c: {  	s11 =	simm.s32 $0x40;
	[sflag:s23] =	ssyncset.done $0x0  }
0x16d: {  	s12 =	simm.s32 $0x2040;
	s10 =	simm.s32 $0xFFFFFFF8;
	[sflag:s23] =	ssyncadd.s32 $0xFFFFF800  }
.LBB2_23:
0x16e: {  	v1 =	vld [tilespmem:s11+$0xFFFFFFC0];
	_ =	sdelay $0x4  }
0x16f: {  	v2 =	vld [tilespmem:s12+$0xFFFFFFC0];
	v1 =	vadd.s32 $0xF, v1;
	_ =	sdelay $0x4  }
0x170: {  	[tilespmem:v1+s24+$0x0] =	vst.idx.add.f32.msk $0xffff, v2  }
0x171: {  	v1 =	vld [tilespmem:s11+$0xFFFFFFD0];
	_ =	sdelay $0x4  }
0x172: {  	v2 =	vld [tilespmem:s12+$0xFFFFFFD0];
	v1 =	vadd.s32 $0xF, v1;
	_ =	sdelay $0x4  }
0x173: {  	[tilespmem:v1+s24+$0x0] =	vst.idx.add.f32.msk $0xffff, v2  }
0x174: {  	v1 =	vld [tilespmem:s11+$0xFFFFFFE0];
	_ =	sdelay $0x4  }
0x175: {  	v2 =	vld [tilespmem:s12+$0xFFFFFFE0];
	v1 =	vadd.s32 $0xF, v1;
	_ =	sdelay $0x4  }
0x176: {  	[tilespmem:v1+s24+$0x0] =	vst.idx.add.f32.msk $0xffff, v2  }
0x177: {  	v1 =	vld [tilespmem:s11+$0xFFFFFFF0];
	_ =	sdelay $0x4  }
0x178: {  	v2 =	vld [tilespmem:s12+$0xFFFFFFF0];
	v1 =	vadd.s32 $0xF, v1;
	_ =	sdelay $0x4  }
0x179: {  	[tilespmem:v1+s24+$0x0] =	vst.idx.add.f32.msk $0xffff, v2  }
0x17a: {  	v1 =	vld [tilespmem:s11+$0x0];
	_ =	sdelay $0x4  }
0x17b: {  	v2 =	vld [tilespmem:s12+$0x0];
	v1 =	vadd.s32 $0xF, v1;
	_ =	sdelay $0x4  }
0x17c: {  	[tilespmem:v1+s24+$0x0] =	vst.idx.add.f32.msk $0xffff, v2  }
0x17d: {  	v1 =	vld [tilespmem:s11+$0x10];
	_ =	sdelay $0x4  }
0x17e: {  	v2 =	vld [tilespmem:s12+$0x10];
	v1 =	vadd.s32 $0xF, v1;
	_ =	sdelay $0x4  }
0x17f: {  	[tilespmem:v1+s24+$0x0] =	vst.idx.add.f32.msk $0xffff, v2  }
0x180: {  	v1 =	vld [tilespmem:s11+$0x20];
	_ =	sdelay $0x4  }
0x181: {  	v2 =	vld [tilespmem:s12+$0x20];
	v1 =	vadd.s32 $0xF, v1;
	_ =	sdelay $0x4  }
0x182: {  	[tilespmem:v1+s24+$0x0] =	vst.idx.add.f32.msk $0xffff, v2  }
0x183: {  	v1 =	vld [tilespmem:s11+$0x30];
	_ =	sdelay $0x3  }
0x184: {  	s10 =	sadd.s32 $0x8, s10  }
0x185: {  	p0 =	slt.u32 s10, $0x78;
	v2 =	vld [tilespmem:s12+$0x30];
	v1 =	vadd.s32 $0xF, v1  }
.Ltmp10:
0x186: {  	_ = 	snop;
	(pc) =	sbr.rel @p0 .LBB2_23-.Ltmp10, $2  }
0x187: {  	_ =	sdelay $0x2  }
0x188: {  	s11 =	sadd.s32 $0x80, s11;
	s12 =	sadd.s32 $0x80, s12;
	[tilespmem:v1+s24+$0x0] =	vst.idx.add.f32.msk $0xffff, v2  }
0x189: {  	s3 =	sshll.u32 s15, $0x7  }
0x18a: {  	s2 =	sadd.s32 $0x1, s2;
	s3 =	sand.u32 $0x1FFFFF00, s3  }
0x18b: {  	p0 =	sne.s32 s2, $0x40;
	s3 =	sadd.s32 s7, s3  }
0x18c: {  	[hbm4b:s3+s4] =	stream.linear.scatter [tilespmem:s25], [sflag:$0x5], $0x400, $0x38;
	[tilespmem:$0x3C20] =	vst v63  }
.Ltmp11:
0x18d: {  	s21 =	sadd.s32 $0x2, s15;
	(pc) =	sbr.rel @p0 .LBB2_12-.Ltmp11, $4  }
0x18e: {  	s3 =	smin.u32 s21, s8  }
0x18f: {  	s3 =	sshll.u32 s3, $0x8  }
0x190: {  	s3 =	sadd.s32 s5, s3  }
0x191: {  	[tilespmem:s4], [sflag:$0x1] =	stream.linear.gather [hbm4b:s3+s4], $0x800, $0x38;
	[tilespmem:$0x3C20] =	vst v63  }
0x192: {  	_ =	swait.ge [sflag:s29], $0x800  }
0x193: {  	s2 =	simm.s32 $0xFFFFFFF8;
	[sflag:s29] =	ssyncset.done $0x0  }
0x194: {  	s10 =	simm.s32 $0x840;
	s11 =	simm.s32 $0x2840;
	[sflag:s29] =	ssyncadd.s32 $0xFFFFF800  }
.LBB2_26:
0x195: {  	v1 =	vld [tilespmem:s10+$0xFFFFFFC0];
	_ =	sdelay $0x4  }
0x196: {  	v2 =	vld [tilespmem:s11+$0xFFFFFFC0];
	v1 =	vadd.s32 $0xF, v1;
	_ =	sdelay $0x4  }
0x197: {  	[tilespmem:v1+s30+$0x0] =	vst.idx.add.f32.msk $0xffff, v2  }
0x198: {  	v1 =	vld [tilespmem:s10+$0xFFFFFFD0];
	_ =	sdelay $0x4  }
0x199: {  	v2 =	vld [tilespmem:s11+$0xFFFFFFD0];
	v1 =	vadd.s32 $0xF, v1;
	_ =	sdelay $0x4  }
0x19a: {  	[tilespmem:v1+s30+$0x0] =	vst.idx.add.f32.msk $0xffff, v2  }
0x19b: {  	v1 =	vld [tilespmem:s10+$0xFFFFFFE0];
	_ =	sdelay $0x4  }
0x19c: {  	v2 =	vld [tilespmem:s11+$0xFFFFFFE0];
	v1 =	vadd.s32 $0xF, v1;
	_ =	sdelay $0x4  }
0x19d: {  	[tilespmem:v1+s30+$0x0] =	vst.idx.add.f32.msk $0xffff, v2  }
0x19e: {  	v1 =	vld [tilespmem:s10+$0xFFFFFFF0];
	_ =	sdelay $0x4  }
0x19f: {  	v2 =	vld [tilespmem:s11+$0xFFFFFFF0];
	v1 =	vadd.s32 $0xF, v1;
	_ =	sdelay $0x4  }
0x1a0: {  	[tilespmem:v1+s30+$0x0] =	vst.idx.add.f32.msk $0xffff, v2  }
0x1a1: {  	v1 =	vld [tilespmem:s10+$0x0];
	_ =	sdelay $0x4  }
0x1a2: {  	v2 =	vld [tilespmem:s11+$0x0];
	v1 =	vadd.s32 $0xF, v1;
	_ =	sdelay $0x4  }
0x1a3: {  	[tilespmem:v1+s30+$0x0] =	vst.idx.add.f32.msk $0xffff, v2  }
0x1a4: {  	v1 =	vld [tilespmem:s10+$0x10];
	_ =	sdelay $0x4  }
0x1a5: {  	v2 =	vld [tilespmem:s11+$0x10];
	v1 =	vadd.s32 $0xF, v1;
	_ =	sdelay $0x4  }
0x1a6: {  	[tilespmem:v1+s30+$0x0] =	vst.idx.add.f32.msk $0xffff, v2  }
0x1a7: {  	v1 =	vld [tilespmem:s10+$0x20];
	_ =	sdelay $0x4  }
0x1a8: {  	v2 =	vld [tilespmem:s11+$0x20];
	v1 =	vadd.s32 $0xF, v1;
	_ =	sdelay $0x4  }
0x1a9: {  	[tilespmem:v1+s30+$0x0] =	vst.idx.add.f32.msk $0xffff, v2  }
0x1aa: {  	v1 =	vld [tilespmem:s10+$0x30];
	_ =	sdelay $0x3  }
0x1ab: {  	s2 =	sadd.s32 $0x8, s2  }
0x1ac: {  	p0 =	slt.u32 s2, $0x78;
	v2 =	vld [tilespmem:s11+$0x30];
	v1 =	vadd.s32 $0xF, v1  }
.Ltmp12:
0x1ad: {  	_ = 	snop;
	(pc) =	sbr.rel @p0 .LBB2_26-.Ltmp12, $2  }
0x1ae: {  	_ =	sdelay $0x2  }
0x1af: {  	s10 =	sadd.s32 $0x80, s10;
	s11 =	sadd.s32 $0x80, s11;
	[tilespmem:v1+s30+$0x0] =	vst.idx.add.f32.msk $0xffff, v2  }
0x1b0: {  	s2 =	rddreg [dreg:$0x8];
	s9 =	simm.s32 $0x7  }
0x1b1: {  	[hbm4b:s2+s4] =	stream.linear.scatter [tilespmem:s31], [sflag:$0x7], $0x400, $0x38;
	[tilespmem:$0x3C20] =	vst v63  }
0x1b2: {  	_ =	swait.ge [sflag:s9], $0x400  }
0x1b3: {  	[sflag:s9] =	ssyncset.done $0x0  }
0x1b4: {  	[sflag:s9] =	ssyncadd.s32 $0xFFFFFC00  }
0x1b5: {  	_ =	swait.ge [sflag:s28], $0x400  }
0x1b6: {  	[sflag:s28] =	ssyncset.done $0x0  }
0x1b7: {  	[sflag:s28] =	ssyncadd.s32 $0xFFFFFC00  }
0x1b8: {  	_ =	swait.ge [sflag:s26], $0x800  }
0x1b9: {  	s3 =	rddreg [dreg:$0xa]  }
0x1ba: {  	s21 =	rddreg [dreg:$0x9];
	s3 =	sadd.s32 $0x1, s3  }
0x1bb: {  	p0 =	sne.s32 s3, s21  }
.Ltmp13:
0x1bc: {  	_ = 	snop;
	(pc) =	sbr.rel @p0 .LBB2_1-.Ltmp13, $3  }
0x1bd: {  	_ =	sdelay $0x1  }
0x1be: {  	[sflag:s26] =	ssyncset.done $0x0  }
0x1bf: {  	[sflag:s26] =	ssyncadd.s32 $0xFFFFF800  }
0x1c0: {  	_ =	sfence.sel $0x180000  }
0x1c1: {  	[bflag:$0x0] =	sbarrier.arrive $0xFFFF  }
0x1c2: {  	_ =	strace $0x9000004A  }
0x1c3: {  	s0 =	stileid.u32;
	[bflag:$0x2] =	sbarrier.arrive $0xFFFF  }
0x1c4: {  	p0 =	sne.s32 s0, $0x0;
	s0 =	rddreg [dreg:$0x3]  }
0x1c5: {  	s0 =	sadd.s32 @!p0 $0x100000, s0  }
0x1c6: {  	[sflag:s0] =	ssyncadd.tile.s32 @!p0 $0x1;
	_ =	shalt  }
.Lfunc_end2:
_tile_overlayer_lowered:
.L_overlay_start_2:
0x1c7: {  	(tag) =	ssettag $0x2  }
0x1c8: {  	s0 =	rddreg [dreg:$0x0];
	s2 =	stileid.u32  }
0x1c9: {  	s1 =	rddreg [dreg:$0x1];
	p0 =	sne.s32 s2, $0x0  }
0x1ca: {  	s3 =	rddreg [dreg:$0x2];
	[bflag:$0x3] =	sbarrier.arrive $0xFFFF;
	s2 =	simm.s32 @!p0 $0x1C07  }
0x1cb: {  	[timem:s3], [sflag:s2] =	dma.local @!p0 [hbm:s0], s1  }
0x1cc: {  	s0 =	simm.s32 @!p0 $0x7  }
0x1cd: {  	_ =	swait.ge @!p0 [sflag:s0], s1  }
0x1ce: {  	s1 =	ssub.s32 @!p0 $0x0, s1;
	[sflag:s0] =	ssyncset.done @!p0 $0x0  }
0x1cf: {  	[sflag:s0] =	ssyncadd.s32 @!p0 s1  }
0x1d0: {  	[bflag:$0x3] =	sbarrier.arrive $0xFFFF  }
0x1d1: {  	_ =	shalt  }

// kernel: sparse-core-data-format-call.cloned.1.call-start
scs
called_computation_lowered:
.L_overlay_start_0:
0x0: {  	s2 =	sld [smem:$0x3FD9]  }
0x1: {  	s3 =	sld [smem:$0x3FFE];
	_ =	sdelay $0x1  }
0x2: {  	s1 =	srdreg.scid  }
0x3: {  	s0 =	sand.u32 $0x1, s1  }
0x4: {  	s18 =	sshll.u32 s0, $0xA;
	s2 =	sadd.s32 s3, s2  }
0x5: {  	s2 =	sadd.s32 s2, s18  }
0x6: {  	[smem:$0x3FC5] =	sst s2  }
0x7: {  	_ = 	snop  }
0x8: {  	s2 =	sld [smem:$0x3FC9];
	(tm) =	ssettm $0x1  }
0x9: {  	s19 =	sld [smem:$0x3FFB];
	_ =	sdelay $0x3  }
0xa: {  	_ =	strace s19  }
0xb: {  	s3 =	sld [smem:$0x3FFC];
	_ =	sdelay $0x3  }
0xc: {  	_ =	strace s3  }
0xd: {  	s3 =	sld [smem:$0x3FFD];
	_ =	sdelay $0x3  }
0xe: {  	_ =	strace s3  }
0xf: {  	_ =	strace $0x8FFFFFFF  }
0x10: {  	s20 =	sld [smem:$0x3FDB];
	_ =	sdelay $0x1  }
0x11: {  	s4 =	simm.s32 $_scs_section_size  }
0x12: {  	s5 =	simm.s32 $_size__tile_overlayer_lowered;
	s6 =	simm.s32 $_tile_overlayer_lowered  }
0x13: {  	s23 =	simm.s32 $0x1BFF;
	s22 =	sshll.u32 s6, $0x1;
	s3 =	sadd.s32 s4, s20  }
0x14: {  	s7 =	simm.s32 $0x0;
	s21 =	sshll.u32 s5, $0x1;
	s5 =	sadd.s32 s22, s3  }
0x15: {  	[timem:s7], [sflag:s23] =	dma.local [hbm:s5], s21  }
0x16: {  	_ =	swait.ge [sflag:s23], s21  }
0x17: {  	s4 =	ssub.s32 $0x0, s21;
	[sflag:s23] =	ssyncset.done $0x0  }
0x18: {  	[sflag:s23] =	ssyncadd.s32 s4;
	_ =	sdelay $0x1  }
0x19: {  	s24 =	simm.s32 $0x1B8B  }
0x1a: {  	_ =	swait.ge [sflag:s24], $0x1  }
0x1b: {  	[sflag:s24] =	ssyncset.done $0x0  }
0x1c: {  	s26 =	simm.s32 $0x1B8E;
	s25 =	sld [smem:$0x3FFE];
	[sflag:s24] =	ssyncadd.s32 $0xFFFFFFFF  }
0x1d: {  	s27 =	simm.s32 $execute0_lowered;
	[smem:$0x3FD2] =	sst s26  }
0x1e: {  	s5 =	sshll.u32 s27, $0x1;
	_ =	strace $0x80000046;
	[dreg:$0x1] =	wrdreg $0xFFFFFFFF  }
0x1f: {  	s28 =	simm.s32 $_size_execute0_lowered;
	s3 =	sadd.s32 s3, s5;
	[dreg:$0x0] =	wrdreg $0x0  }
0x20: {  	s5 =	sshll.u32 s28, $0x1;
	[dreg:$0x2] =	wrdreg s3  }
0x21: {  	[dreg:$0x3] =	wrdreg s5  }
0x22: {  	[dreg:$0x4] =	wrdreg $0xC0  }
0x23: {  	_ =	task [dreg:s7], $0x5FFFF  }
0x24: {  	[dreg:$0x1] =	wrdreg $0xFFFFFFFF  }
0x25: {  	[dreg:$0x0] =	wrdreg $0x60  }
0x26: {  	[dreg:$0x2] =	wrdreg s2  }
0x27: {  	[dreg:$0x3] =	wrdreg s25  }
0x28: {  	[dreg:$0x4] =	wrdreg $0x9  }
0x29: {  	_ =	task.clear_ibuf [dreg:s7], $0x5FFFF;
	_ =	strace $0x90000046  }
0x2a: {  	s29 =	simm.s32 $0x9;
	_ =	strace $0x80000048  }
0x2b: {  	_ =	swait.ge [sflag:s29], $0x1  }
0x2c: {  	[sflag:s29] =	ssyncadd.s32 $0xFFFFFFFF  }
0x2d: {  	_ =	strace $0x90000048  }
0x2e: {  	_ =	sfence  }
0x2f: {  	s30 =	sld [smem:$0x0];
	_ =	sdelay $0x2  }
0x30: {  	s31 =	sshll.u32 s1, $0xD;
	s1 =	sshrl.u32 s1, $0x2  }
0x31: {  	s3 =	sand.u32 $0x4000, s31;
	s1 =	sadd.s32 s1, s30  }
0x32: {  	s0 =	sor.u32 s3, s0;
	s1 =	sshll.u32 s1, $0x11  }
0x33: {  	s0 =	sor.u32 s1, s0  }
0x34: {  	s0 =	sadd.s32 $0x8F2B, s0  }
0x35: {  	[sflag:s0] =	ssyncadd.remote.s32 $0x1  }
0x36: {  	_ =	sfence.sel $0xFFFF  }
0x37: {  	[dreg:$0x0] =	wrdreg $0xFFFFFFFF;
	(pc) =	sbr.abs _section_cstart, $3  }
0x38: {  	[dreg:$0x1] =	wrdreg $0xFFFFFFFF  }
0x39: {  	_ =	task.clear_ibuf [dreg:s7], $0x2FFFF;
	_ =	strace $0x9FFFFFFF  }
0x3a: {  	(tm) =	ssettm $0x7FFFFFFF  }
0x3b: {  	_ =	shalt  }
tec
execute0_lowered:
.L_overlay_start_1:
0x0: {  	(tag) =	ssettag $0x1  }
0x1: {  	s2 =	rddreg [dreg:$0x0]  }
0x2: {  	s1 =	rddreg [dreg:$0x1]  }
0x3: {  	s0 =	rddreg [dreg:$0x2];
	_ =	strace $0x80000047;
	s4 =	srdreg.scid  }
.Ltmp0:
0x4: {  	s6 =	simm.s32 $0x2;
	p0 =	por $0x0, $0x0;
	(pc) =	sbr.rel .LBB1_1-.Ltmp0, $4  }
0x5: {  	s9 =	simm.s32 $0x0;
	s3 =	sadd.s32 $0xA00, s1;
	s5 =	sshll.u32 s4, $0x4  }
0x6: {  	s1 =	stileid.u32;
	s4 =	simm.s32 $0x1;
	s5 =	sand.u32 $0x10, s5  }
0x7: {  	s7 =	simm.s32 $0x0;
	[sflag:s4] =	ssyncpa.u1 $0x0;
	s5 =	sor.u32 s1, s5  }
0x8: {  	[sflag:s6] =	ssyncpa.u1 $0x0;
	s6 =	simm.s32 $0x0;
	s8 =	smov.u32 s5  }
.LBB1_7:
0x9: {  	s11 =	sadd.s32 $0x20, s8  }
0xa: {  	p1 =	slt.u32 s7, $0x2;
	s7 =	sadd.s32 $0x1, s7;
	p2 =	sgt.s32 s11, $0x1FF  }
0xb: {  	s11 =	smov.u32 @p2 s5;
	p2 =	sne.s32 s7, $0x12  }
.Ltmp1:
0xc: {  	_ = 	snop;
	(pc) =	sbr.rel @!p2 .LBB1_8-.Ltmp1, $4  }
0xd: {  	s10 =	simm.s32 @!p1 $0x2  }
0xe: {  	_ =	swait.ge @!p1 [sflag:s10], $0x4000  }
0xf: {  	s9 =	smov.u32 s8;
	[sflag:s10] =	ssyncset.done @!p1 $0x0  }
0x10: {  	p0 =	por !p0, !p0;
	s8 =	smov.u32 s11;
	[sflag:s10] =	ssyncadd.s32 @!p1 $0xFFFFC000  }
.LBB1_1:
0x11: {  	p1 =	sgt.u32 s7, $0xF  }
0x12: {  	s10 =	sxor.u32 @!p1 $0xFFFFFFFF, s7  }
0x13: {  	s11 =	sshll.u32 @!p1 s8, $0xB;
	s10 =	sshll.u32 @!p1 s10, $0xE  }
0x14: {  	s12 =	simm.s32 @!p1 $0x0;
	s11 =	sadd.s32 @!p1 s2, s11;
	s10 =	sand.u32 @!p1 $0x4000, s10  }
0x15: {  	[tilespmem:s10], [sflag:$0x1] =	stream.linear.gather @!p1 [hbm4b:s11+s12], $0x4000, $0x38;
	[tilespmem:$0x10000] =	vst v63  }
0x16: {  	p1 =	seq.s32 s7, $0x0  }
0x17: {  	p2 =	seq.s32 @!p1 s7, $0x11  }
0x18: {  	p1 =	por p1, p2  }
.Ltmp2:
0x19: {  	_ = 	snop;
	(pc) =	sbr.rel @p1 .LBB1_7-.Ltmp2, $1  }
0x1a: {  	_ =	sdelay $0x3  }
0x1b: {  	s10 =	simm.s32 $0x1;
	_ =	swait.ge [sflag:s4], $0x4000;
	s12 =	sshll.u32 s7, $0xE  }
0x1c: {  	s13 =	simm.s32 $0x0;
	s10 =	simm.s32 @!p0 $0x0;
	[sflag:s4] =	ssyncset.done $0x0  }
0x1d: {  	s12 =	sand.u32 $0x4000, s12;
	s11 =	sshll.u32 s10, $0xE;
	[sflag:s4] =	ssyncadd.s32 $0xFFFFC000  }
0x1e: {  	s12 =	sor.u32 $0x8000, s12;
	s10 =	sor.u32 $0x8040, s11;
	s11 =	sor.u32 $0x40, s11  }
.LBB1_3:
0x1f: {  	v0 =	vmov s11;
	_ =	sdelay $0x3  }
0x20: {  	s15 =	simm.s32 $0x0  }
0x21: {  	v6 =	vld.idx.msk [tilespmem:v0+s15+$0x30 ss:$0x1], $0xffff  }
0x22: {  	v7 =	vld.idx.msk [tilespmem:v0+s15+$0xFFFFFFC0 ss:$0x1], $0xffff  }
0x23: {  	v5 =	vld.idx.msk [tilespmem:v0+s15+$0xFFFFFFD0 ss:$0x1], $0xffff  }
0x24: {  	v4 =	vld.idx.msk [tilespmem:v0+s15+$0xFFFFFFE0 ss:$0x1], $0xffff  }
0x25: {  	v3 =	vld.idx.msk [tilespmem:v0+s15+$0xFFFFFFF0 ss:$0x1], $0xffff  }
0x26: {  	v1 =	vld.idx.msk [tilespmem:v0+s15+$0x0 ss:$0x1], $0xffff  }
0x27: {  	v2 =	vld.idx.msk [tilespmem:v0+s15+$0x10 ss:$0x1], $0xffff;
	[tilespmem:s10+$0x30] =	vst v6  }
0x28: {  	s14 =	simm.s32 $0x80;
	s16 =	simm.s32 $0x400;
	[tilespmem:s10+$0xFFFFFFC0] =	vst v7;
	v6 =	vld.idx.msk [tilespmem:v0+s15+$0x20 ss:$0x1], $0xffff;
	s15 =	smov.u32 s10  }
.LBB1_4:
0x29: {  	p1 =	sne.s32 s16, $0xE00;
	v7 =	vld.idx.msk [tilespmem:v0+s14+$0x30 ss:$0x1], $0xffff;
	[tilespmem:s15+$0xFFFFFFD0] =	vst v5  }
0x2a: {  	v8 =	vld.idx.msk [tilespmem:v0+s14+$0xFFFFFFC0 ss:$0x1], $0xffff;
	[tilespmem:s15+$0xFFFFFFE0] =	vst v4  }
0x2b: {  	v5 =	vld.idx.msk [tilespmem:v0+s14+$0xFFFFFFD0 ss:$0x1], $0xffff;
	[tilespmem:s15+$0xFFFFFFF0] =	vst v3  }
.Ltmp3:
0x2c: {  	v4 =	vld.idx.msk [tilespmem:v0+s14+$0xFFFFFFE0 ss:$0x1], $0xffff;
	[tilespmem:s15+$0x0] =	vst v1;
	(pc) =	sbr.rel @p1 .LBB1_4-.Ltmp3, $4  }
0x2d: {  	v3 =	vld.idx.msk [tilespmem:v0+s14+$0xFFFFFFF0 ss:$0x1], $0xffff;
	[tilespmem:s15+$0x10] =	vst v2  }
0x2e: {  	v1 =	vld.idx.msk [tilespmem:v0+s14+$0x0 ss:$0x1], $0xffff;
	[tilespmem:s15+$0x20] =	vst v6;
	s15 =	sadd.s32 $0x800, s15  }
0x2f: {  	v2 =	vld.idx.msk [tilespmem:v0+s14+$0x10 ss:$0x1], $0xffff;
	[tilespmem:s15+$0x30] =	vst v7  }
0x30: {  	[tilespmem:s15+$0xFFFFFFC0] =	vst v8;
	v6 =	vld.idx.msk [tilespmem:v0+s14+$0x20 ss:$0x1], $0xffff;
	s14 =	sshra.s32 s16, $0x2;
	s16 =	sadd.s32 $0x200, s16  }
0x31: {  	_ =	sdelay $0x2  }
0x32: {  	[tilespmem:s15+$0xFFFFFFD0] =	vst v5  }
0x33: {  	v56 =	vld.idx.msk [tilespmem:v0+s14+$0x30 ss:$0x1], $0xffff;
	[tilespmem:s15+$0xFFFFFFE0] =	vst v4  }
0x34: {  	v57 =	vld.idx.msk [tilespmem:v0+s14+$0xFFFFFFC0 ss:$0x1], $0xffff;
	[tilespmem:s15+$0xFFFFFFF0] =	vst v3  }
0x35: {  	v58 =	vld.idx.msk [tilespmem:v0+s14+$0xFFFFFFD0 ss:$0x1], $0xffff;
	[tilespmem:s15+$0x0] =	vst v1  }
0x36: {  	v59 =	vld.idx.msk [tilespmem:v0+s14+$0xFFFFFFE0 ss:$0x1], $0xffff;
	[tilespmem:s15+$0x10] =	vst v2  }
0x37: {  	v60 =	vld.idx.msk [tilespmem:v0+s14+$0xFFFFFFF0 ss:$0x1], $0xffff;
	s31 =	sadd.s32 $0x800, s15;
	[tilespmem:s15+$0x20] =	vst v6  }
0x38: {  	v61 =	vld.idx.msk [tilespmem:v0+s14+$0x0 ss:$0x1], $0xffff;
	[tilespmem:s31+$0x30] =	vst v56  }
0x39: {  	v62 =	vld.idx.msk [tilespmem:v0+s14+$0x10 ss:$0x1], $0xffff;
	s13 =	sadd.s32 $0x1, s13;
	[tilespmem:s31+$0xFFFFFFC0] =	vst v57  }
0x3a: {  	v63 =	vld.idx.msk [tilespmem:v0+s14+$0x20 ss:$0x1], $0xffff;
	p1 =	sne.s32 s13, $0x10;
	[tilespmem:s31+$0xFFFFFFD0] =	vst v58  }
.Ltmp4:
0x3b: {  	[tilespmem:s31+$0xFFFFFFE0] =	vst v59;
	(pc) =	sbr.rel @p1 .LBB1_3-.Ltmp4, $4  }
0x3c: {  	[tilespmem:s31+$0xFFFFFFF0] =	vst v60  }
0x3d: {  	[tilespmem:s31+$0x0] =	vst v61  }
0x3e: {  	[tilespmem:s31+$0x10] =	vst v62  }
0x3f: {  	s10 =	sadd.s32 $0x80, s10;
	s11 =	sadd.s32 $0x400, s11;
	[tilespmem:s31+$0x20] =	vst v63  }
.Ltmp5:
0x40: {  	(pc) =	sbr.rel .LBB1_7-.Ltmp5, $4  }
0x41: {  	_ = 	snop  }
0x42: {  	s9 =	sshll.u32 s9, $0xB  }
0x43: {  	s9 =	sadd.s32 s3, s9  }
0x44: {  	[hbm4b:s9+s6] =	stream.linear.scatter [tilespmem:s12], [sflag:$0x2], $0x4000, $0x38;
	[tilespmem:$0x10000] =	vst v63  }
.LBB1_8:
0x45: {  	_ =	sfence.sel $0x180000  }
0x46: {  	s2 =	simm.s32 $0x1;
	[bflag:$0x0] =	sbarrier.arrive $0xFFFF  }
0x47: {  	s31 =	simm.s32 $0x2;
	[sflag:s2] =	ssyncpa.u1 $0x1  }
0x48: {  	[sflag:s31] =	ssyncpa.u1 $0x1  }
0x49: {  	p0 =	sne.s32 s1, $0x0;
	_ =	strace $0x90000047  }
0x4a: {  	s0 =	sadd.s32 @!p0 $0x100000, s0;
	[bflag:$0x2] =	sbarrier.arrive $0xFFFF  }
0x4b: {  	[sflag:s0] =	ssyncadd.tile.s32 @!p0 $0x1;
	_ =	shalt  }
.Lfunc_end1:
_tile_overlayer_lowered:
.L_overlay_start_2:
0x4c: {  	(tag) =	ssettag $0x2  }
0x4d: {  	s0 =	rddreg [dreg:$0x0];
	s2 =	stileid.u32  }
0x4e: {  	s1 =	rddreg [dreg:$0x1];
	p0 =	sne.s32 s2, $0x0  }
0x4f: {  	s3 =	rddreg [dreg:$0x2];
	[bflag:$0x3] =	sbarrier.arrive $0xFFFF;
	s2 =	simm.s32 @!p0 $0x1C01  }
0x50: {  	[timem:s3], [sflag:s2] =	dma.local @!p0 [hbm:s0], s1  }
0x51: {  	s0 =	simm.s32 @!p0 $0x1  }
0x52: {  	_ =	swait.ge @!p0 [sflag:s0], s1  }
0x53: {  	s1 =	ssub.s32 @!p0 $0x0, s1;
	[sflag:s0] =	ssyncset.done @!p0 $0x0  }
0x54: {  	[sflag:s0] =	ssyncadd.s32 @!p0 s1  }
0x55: {  	[bflag:$0x3] =	sbarrier.arrive $0xFFFF  }
0x56: {  	_ =	shalt  }

</sc_bundles>
